<compile_context>
chip_gen: v7x
topology: tpu7x:2x2x1
jax: 0.10.2.dev20260603
libtpu: 0.0.44.dev20260713+nightly
codegen_flags: <defaults>
</compile_context>

<pallas_src>
import functools

import jax
import jax.numpy as jnp
from jax import lax
from jax.experimental import pallas as pl
from jax.experimental.pallas import tpu as pltpu
from jax.experimental.pallas import tpu_sc as plsc

A, E, H = 10000, 320000, 128
NC, NS = 2, 16
NW = NC * NS
CH = 128
NCH = 78
EPW = NCH * CH
EMAIN = NW * EPW
NX = (E - EMAIN) // CH
RPS = 624
TAIL0 = NS * RPS
TAILN = A - TAIL0


@functools.cache
def _sc_kernels():
    mesh = plsc.VectorSubcoreMesh(core_axis_name="c", subcore_axis_name="s")

    @functools.partial(
        pl.kernel,
        out_type=(jax.ShapeDtypeStruct((E, H), jnp.float32),
                  jax.ShapeDtypeStruct((E, H), jnp.float32)),
        mesh=mesh,
        scratch_types=[
            pltpu.VMEM((NCH, CH), jnp.int32),
            pltpu.VMEM((NCH, CH), jnp.int32),
            pltpu.VMEM((1, CH), jnp.int32),
            pltpu.VMEM((1, CH), jnp.int32),
            pltpu.VMEM((CH, H), jnp.float32),
            pltpu.VMEM((CH, H), jnp.float32),
            pltpu.VMEM((CH, H), jnp.float32),
            pltpu.VMEM((CH, H), jnp.float32),
            pltpu.SemaphoreType.DMA,
            pltpu.SemaphoreType.DMA,
            pltpu.SemaphoreType.DMA,
            pltpu.SemaphoreType.DMA,
        ],
    )
    def _sc_gather(node_hbm, sm_hbm, rm_hbm, sx_hbm, rx_hbm,
                   sout_hbm, rout_hbm,
                   sidx_v, ridx_v, sxi_v, rxi_v, sr0, sr1, rr0, rr1,
                   sg0, sg1, sw0, sw1):
        c = lax.axis_index("c")
        s = lax.axis_index("s")
        wid = s * NC + c
        base = wid * EPW
        srow = (sr0, sr1)
        rrow = (rr0, rr1)
        sgs = (sg0, sg1)
        sws = (sw0, sw1)

        pltpu.sync_copy(sm_hbm.at[wid], sidx_v)
        pltpu.sync_copy(rm_hbm.at[wid], ridx_v)

        def fire_gather(i, b):
            pltpu.async_copy(node_hbm.at[sidx_v.at[i]], srow[b], sgs[b])
            pltpu.async_copy(node_hbm.at[ridx_v.at[i]], rrow[b], sgs[b])

        def wait_gather(i, b):
            pltpu.make_async_copy(node_hbm.at[sidx_v.at[i]], srow[b],
                                  sgs[b]).wait()
            pltpu.make_async_copy(node_hbm.at[ridx_v.at[i]], rrow[b],
                                  sgs[b]).wait()

        fire_gather(0, 0)
        fire_gather(1, 1)

        @pl.loop(0, (NCH - 2) // 2)
        def _(j):
            for b in (0, 1):
                i = 2 * j + b
                off = base + i * CH
                wait_gather(i, b)
                w1 = pltpu.async_copy(srow[b], sout_hbm.at[pl.ds(off, CH)],
                                      sws[b])
                w2 = pltpu.async_copy(rrow[b], rout_hbm.at[pl.ds(off, CH)],
                                      sws[b])
                w1.wait()
                w2.wait()
                fire_gather(i + 2, b)

        for b in (0, 1):
            i = NCH - 2 + b
            off = base + i * CH
            wait_gather(i, b)
            pltpu.sync_copy(srow[b], sout_hbm.at[pl.ds(off, CH)])
            pltpu.sync_copy(rrow[b], rout_hbm.at[pl.ds(off, CH)])

        @pl.when(wid < NX)
        def _():
            xoff = EMAIN + wid * CH
            pltpu.sync_copy(sx_hbm.at[wid], sxi_v.at[0])
            pltpu.sync_copy(rx_hbm.at[wid], rxi_v.at[0])
            g1 = pltpu.async_copy(node_hbm.at[sxi_v.at[0]], sr0, sg0)
            g2 = pltpu.async_copy(node_hbm.at[rxi_v.at[0]], rr0, sg0)
            g1.wait()
            g2.wait()
            pltpu.sync_copy(sr0, sout_hbm.at[pl.ds(xoff, CH)])
            pltpu.sync_copy(rr0, rout_hbm.at[pl.ds(xoff, CH)])

    @functools.partial(
        pl.kernel,
        out_type=jax.ShapeDtypeStruct((NC, A, H), jnp.float32),
        mesh=mesh,
        scratch_types=[
            pltpu.VMEM((NCH, CH), jnp.int32),
            pltpu.VMEM((1, CH), jnp.int32),
            pltpu.VMEM((CH, H), jnp.float32),
            pltpu.VMEM((CH, H), jnp.float32),
            pltpu.VMEM_SHARED((A, H), jnp.float32),
            pltpu.SemaphoreType.DMA,
            pltpu.SemaphoreType.DMA,
            pltpu.SemaphoreType.DMA,
            pltpu.SemaphoreType.DMA,
        ],
    )
    def _sc_scatter(msg_hbm, rm_hbm, rx_hbm, zero_hbm, out_hbm,
                    ridx_v, rxi_v, mr0, mr1, acc_sh, sl0, sl1, sa0, sa1):
        c = lax.axis_index("c")
        s = lax.axis_index("s")
        wid = s * NC + c
        base = wid * EPW
        r0 = s * RPS
        mrow = (mr0, mr1)
        sls = (sl0, sl1)
        sas = (sa0, sa1)
        pltpu.sync_copy(zero_hbm.at[pl.ds(r0, RPS)], acc_sh.at[pl.ds(r0, RPS)])

        @pl.when(s == 0)
        def _():
            pltpu.sync_copy(zero_hbm.at[pl.ds(TAIL0, TAILN)],
                            acc_sh.at[pl.ds(TAIL0, TAILN)])

        pltpu.sync_copy(rm_hbm.at[wid], ridx_v)
        plsc.subcore_barrier()

        def fire_load(i, b):
            off = base + i * CH
            pltpu.async_copy(msg_hbm.at[pl.ds(off, CH)], mrow[b], sls[b])

        def wait_load(i, b):
            off = base + i * CH
            pltpu.make_async_copy(msg_hbm.at[pl.ds(off, CH)], mrow[b],
                                  sls[b]).wait()

        fire_load(0, 0)
        fire_load(1, 1)

        @pl.loop(0, (NCH - 2) // 2)
        def _(j):
            for b in (0, 1):
                i = 2 * j + b
                wait_load(i, b)
                a = pltpu.async_copy(mrow[b], acc_sh.at[ridx_v.at[i]],
                                     sas[b], add=True)
                a.wait()
                fire_load(i + 2, b)

        for b in (0, 1):
            i = NCH - 2 + b
            wait_load(i, b)
            pltpu.sync_copy(mrow[b], acc_sh.at[ridx_v.at[i]], add=True)

        @pl.when(wid < NX)
        def _():
            xoff = EMAIN + wid * CH
            pltpu.sync_copy(rx_hbm.at[wid], rxi_v.at[0])
            pltpu.sync_copy(msg_hbm.at[pl.ds(xoff, CH)], mr0)
            pltpu.sync_copy(mr0, acc_sh.at[rxi_v.at[0]], add=True)

        plsc.subcore_barrier()
        pltpu.sync_copy(acc_sh.at[pl.ds(r0, RPS)], out_hbm.at[c, pl.ds(r0, RPS)])

        @pl.when(s == 0)
        def _():
            pltpu.sync_copy(acc_sh.at[pl.ds(TAIL0, TAILN)],
                            out_hbm.at[c, pl.ds(TAIL0, TAILN)])

    return _sc_gather, _sc_scatter


BE = 4000


def _mlp_body(sb, rb, p, w1a, w1b, b1, w2, b2, o):
    f32 = jnp.float32
    z = (jnp.dot(sb[...], w1a[...], preferred_element_type=f32)
         + jnp.dot(rb[...], w1b[...], preferred_element_type=f32)
         + b1[...])
    h = jnp.tanh(z)
    m = jnp.tanh(jnp.dot(h, w2[...], preferred_element_type=f32) + b2[...])
    o[...] = m * p[...]


def _tc_mlp(sb, rb, p, w1a, w1b, b1, w2, b2):
    return pl.pallas_call(
        _mlp_body,
        grid=(E // BE,),
        in_specs=[
            pl.BlockSpec((BE, H), lambda i: (i, 0)),
            pl.BlockSpec((BE, H), lambda i: (i, 0)),
            pl.BlockSpec((BE, 1), lambda i: (i, 0)),
            pl.BlockSpec((H, H), lambda i: (0, 0)),
            pl.BlockSpec((H, H), lambda i: (0, 0)),
            pl.BlockSpec((1, H), lambda i: (0, 0)),
            pl.BlockSpec((H, H), lambda i: (0, 0)),
            pl.BlockSpec((1, H), lambda i: (0, 0)),
        ],
        out_specs=pl.BlockSpec((BE, H), lambda i: (i, 0)),
        out_shape=jax.ShapeDtypeStruct((E, H), jnp.float32),
    )(sb, rb, p, w1a, w1b, b1, w2, b2)


def _add_body(a, o):
    o[...] = a[0] + a[1]


def _tc_add(partials):
    return pl.pallas_call(
        _add_body,
        grid=(10,),
        in_specs=[pl.BlockSpec((NC, A // 10, H), lambda i: (0, i, 0))],
        out_specs=pl.BlockSpec((A // 10, H), lambda i: (i, 0)),
        out_shape=jax.ShapeDtypeStruct((A, H), jnp.float32),
    )(partials)


def kernel(node_embedding, edge_probs, send_edges, recv_edges, node_masks,
           W1, b1, W2, b2):
    del node_masks
    x = node_embedding[0]
    p = edge_probs[0, :, 1:2]

    sm = send_edges[:EMAIN].reshape(NW, NCH, CH)
    rm = recv_edges[:EMAIN].reshape(NW, NCH, CH)
    sx = send_edges[EMAIN:].reshape(NX, CH)
    rx = recv_edges[EMAIN:].reshape(NX, CH)

    _sc_gather, _sc_scatter = _sc_kernels()
    sb, rb = _sc_gather(x, sm, rm, sx, rx)

    bh = jnp.bfloat16
    msg = _tc_mlp(sb, rb, p,
                  W1[:H].astype(bh), W1[H:].astype(bh),
                  b1.reshape(1, H), W2.astype(bh), b2.reshape(1, H))
    zeros = jnp.zeros((A, H), jnp.float32)
    partials = _sc_scatter(msg, rm, rx, zeros)
    return _tc_add(partials)[None]

# --- scband reference (transcript-rebuilt; emitter-appended) ---
"""Pipeline reference for scband-decoder-28896539967915 (READ-ONLY COPY).

The authoritative reference and input builder live on the scoring server;
editing this copy changes nothing except your own understanding.
"""

import jax, jax.numpy as jnp
import numpy as np

B, A, E, H = 1, 10000, 320000, 128


def setup_inputs(seed: int = 0) -> dict:
    key = jax.random.key(seed)
    ks = jax.random.split(key, 8)
    node_embedding = jax.random.normal(ks[0], (B, A, H), dtype=jnp.float32)
    edge_probs = jax.random.uniform(ks[1], (B, E, 2), dtype=jnp.float32)
    send_edges = jax.random.randint(ks[2], (E,), 0, A, dtype=jnp.int32)
    recv_edges = jax.random.randint(ks[3], (E,), 0, A, dtype=jnp.int32)
    node_masks = jnp.ones((B, A), dtype=bool)
    glorot = jax.nn.initializers.glorot_normal()
    W1 = glorot(ks[4], (2 * H, H), jnp.float32)
    b1 = jnp.full((H,), 0.1, dtype=jnp.float32)
    W2 = glorot(ks[5], (H, H), jnp.float32)
    b2 = jnp.full((H,), 0.1, dtype=jnp.float32)
    return {
        "node_embedding": node_embedding,
        "edge_probs": edge_probs,
        "send_edges": send_edges,
        "recv_edges": recv_edges,
        "node_masks": node_masks,
        "W1": W1, "b1": b1, "W2": W2, "b2": b2,
    }


def reference(node_embedding, edge_probs, send_edges, recv_edges, node_masks, W1, b1, W2, b2):
    # node2edge: gather sender and receiver node embeddings per edge
    send_emb = jnp.take(node_embedding, send_edges, axis=1)   # [B, E, H]
    recv_emb = jnp.take(node_embedding, recv_edges, axis=1)   # [B, E, H]
    edge_embedding = jnp.concatenate([send_emb, recv_emb], axis=-1)  # [B, E, 2H]
    # edge MLP for edge type 1 (type 0 ignored since ignore_edge0=True, n_edges=2)
    h = jnp.tanh(edge_embedding @ W1 + b1)
    msg = jnp.tanh(h @ W2 + b2)                                # [B, E, H]
    # weight messages by edge-type probability
    weighted = msg * edge_probs[..., 1][..., None]
    # edge2node: scatter-add messages into receiver nodes
    new_node_embedding = jnp.zeros_like(node_embedding).at[:, recv_edges, :].add(weighted)
    return new_node_embedding

if __name__ == "__main__":
    import jax
    _d = setup_inputs()
    print(jax.jit(kernel)(*tuple(_d.values())))

</pallas_src>

<mosaic_0001>
#map = affine_map<(d0, d1) -> (0, 0)>
#map1 = affine_map<(d0, d1) -> (0, 0, 0)>
module attributes {stable_mosaic.version = 14 : i64} {
  func.func @_sc_gather(%arg0: i32, %arg1: i32, %arg2: memref<10000x128xf32, #tpu.memory_space<hbm>>, %arg3: memref<32x78x128xi32, #tpu.memory_space<hbm>>, %arg4: memref<32x78x128xi32, #tpu.memory_space<hbm>>, %arg5: memref<4x128xi32, #tpu.memory_space<hbm>>, %arg6: memref<4x128xi32, #tpu.memory_space<hbm>>, %arg7: memref<320000x128xf32, #tpu.memory_space<hbm>>, %arg8: memref<320000x128xf32, #tpu.memory_space<hbm>>, %arg9: memref<78x128xi32, #tpu.memory_space<vmem>>, %arg10: memref<78x128xi32, #tpu.memory_space<vmem>>, %arg11: memref<1x128xi32, #tpu.memory_space<vmem>>, %arg12: memref<1x128xi32, #tpu.memory_space<vmem>>, %arg13: memref<128x128xf32, #tpu.memory_space<vmem>>, %arg14: memref<128x128xf32, #tpu.memory_space<vmem>>, %arg15: memref<128x128xf32, #tpu.memory_space<vmem>>, %arg16: memref<128x128xf32, #tpu.memory_space<vmem>>, %arg17: memref<!tpu.dma_semaphore, #tpu.memory_space<semaphore_mem>>, %arg18: memref<!tpu.dma_semaphore, #tpu.memory_space<semaphore_mem>>, %arg19: memref<!tpu.dma_semaphore, #tpu.memory_space<semaphore_mem>>, %arg20: memref<!tpu.dma_semaphore, #tpu.memory_space<semaphore_mem>>) attributes {dimension_semantics = [#tpu.dimension_semantics<core_parallel>, #tpu.dimension_semantics<subcore_parallel>], iteration_bounds = array<i64: 2, 16>, scalar_prefetch = 0 : i64, scratch_operands = 12 : i64, tpu.core_type = #tpu.core_type<sc_vector_subcore>, window_params = [{transform_indices = #map}, {transform_indices = #map1}, {transform_indices = #map1}, {transform_indices = #map}, {transform_indices = #map}, {transform_indices = #map}, {transform_indices = #map}]} {
    %mul3A = arith.constant 2 : i32
    %mul3A_0 = arith.muli %arg1, %mul3A : i32
    %add3A = arith.addi %mul3A_0, %arg0 : i32
    %mul3A_1 = arith.constant 9984 : i32
    %mul3A_2 = arith.muli %add3A, %mul3A_1 : i32
    "tpu.region"() ({
      %run_scoped3A = tpu.sem_alloc : memref<!tpu.dma_semaphore, #tpu.memory_space<semaphore_mem>>
      %dma_start3A_67 = arith.constant 0 : i32
      %dma_start3A_68 = arith.constant 0 : i32
      %dma_start3A_69 = tpu.memref_slice %arg3[%add3A, %dma_start3A_67, %dma_start3A_68] : memref<32x78x128xi32, #tpu.memory_space<hbm>> -> memref<1x78x128xi32, #tpu.memory_space<hbm>>
      %dma_start3A_70 = tpu.memref_squeeze %dma_start3A_69 : memref<1x78x128xi32, #tpu.memory_space<hbm>> -> memref<78x128xi32, #tpu.memory_space<hbm>>
      %dma_start3A_71 = arith.constant 0 : i32
      %dma_start3A_72 = arith.constant 0 : i32
      %dma_start3A_73 = tpu.memref_slice %arg3[%add3A, %dma_start3A_71, %dma_start3A_72] : memref<32x78x128xi32, #tpu.memory_space<hbm>> -> memref<1x78x128xi32, #tpu.memory_space<hbm>>
      %dma_start3A_74 = tpu.memref_squeeze %dma_start3A_73 : memref<1x78x128xi32, #tpu.memory_space<hbm>> -> memref<78x128xi32, #tpu.memory_space<hbm>>
      tpu.enqueue_dma source(%dma_start3A_74 : memref<78x128xi32, #tpu.memory_space<hbm>>) target(%arg9 : memref<78x128xi32, #tpu.memory_space<vmem>>) target_semaphore(%run_scoped3A : memref<!tpu.dma_semaphore, #tpu.memory_space<semaphore_mem>>)
      %dma_wait3A_75 = arith.constant 0 : i32
      %dma_wait3A_76 = arith.constant 0 : i32
      %dma_wait3A_77 = tpu.memref_slice %arg3[%add3A, %dma_wait3A_75, %dma_wait3A_76] : memref<32x78x128xi32, #tpu.memory_space<hbm>> -> memref<1x78x128xi32, #tpu.memory_space<hbm>>
      %dma_wait3A_78 = tpu.memref_squeeze %dma_wait3A_77 : memref<1x78x128xi32, #tpu.memory_space<hbm>> -> memref<78x128xi32, #tpu.memory_space<hbm>>
      %dma_wait3A_79 = arith.constant 0 : i32
      %dma_wait3A_80 = arith.constant 0 : i32
      %dma_wait3A_81 = tpu.memref_slice %arg3[%add3A, %dma_wait3A_79, %dma_wait3A_80] : memref<32x78x128xi32, #tpu.memory_space<hbm>> -> memref<1x78x128xi32, #tpu.memory_space<hbm>>
      %dma_wait3A_82 = tpu.memref_squeeze %dma_wait3A_81 : memref<1x78x128xi32, #tpu.memory_space<hbm>> -> memref<78x128xi32, #tpu.memory_space<hbm>>
      tpu.wait_dma2 semaphore(%run_scoped3A : memref<!tpu.dma_semaphore, #tpu.memory_space<semaphore_mem>>) src(%dma_wait3A_82 : memref<78x128xi32, #tpu.memory_space<hbm>>) dst(%arg9 : memref<78x128xi32, #tpu.memory_space<vmem>>)
      tpu.yield
    }) : () -> ()
    "tpu.region"() ({
      %run_scoped3A = tpu.sem_alloc : memref<!tpu.dma_semaphore, #tpu.memory_space<semaphore_mem>>
      %dma_start3A_67 = arith.constant 0 : i32
      %dma_start3A_68 = arith.constant 0 : i32
      %dma_start3A_69 = tpu.memref_slice %arg4[%add3A, %dma_start3A_67, %dma_start3A_68] : memref<32x78x128xi32, #tpu.memory_space<hbm>> -> memref<1x78x128xi32, #tpu.memory_space<hbm>>
      %dma_start3A_70 = tpu.memref_squeeze %dma_start3A_69 : memref<1x78x128xi32, #tpu.memory_space<hbm>> -> memref<78x128xi32, #tpu.memory_space<hbm>>
      %dma_start3A_71 = arith.constant 0 : i32
      %dma_start3A_72 = arith.constant 0 : i32
      %dma_start3A_73 = tpu.memref_slice %arg4[%add3A, %dma_start3A_71, %dma_start3A_72] : memref<32x78x128xi32, #tpu.memory_space<hbm>> -> memref<1x78x128xi32, #tpu.memory_space<hbm>>
      %dma_start3A_74 = tpu.memref_squeeze %dma_start3A_73 : memref<1x78x128xi32, #tpu.memory_space<hbm>> -> memref<78x128xi32, #tpu.memory_space<hbm>>
      tpu.enqueue_dma source(%dma_start3A_74 : memref<78x128xi32, #tpu.memory_space<hbm>>) target(%arg10 : memref<78x128xi32, #tpu.memory_space<vmem>>) target_semaphore(%run_scoped3A : memref<!tpu.dma_semaphore, #tpu.memory_space<semaphore_mem>>)
      %dma_wait3A_75 = arith.constant 0 : i32
      %dma_wait3A_76 = arith.constant 0 : i32
      %dma_wait3A_77 = tpu.memref_slice %arg4[%add3A, %dma_wait3A_75, %dma_wait3A_76] : memref<32x78x128xi32, #tpu.memory_space<hbm>> -> memref<1x78x128xi32, #tpu.memory_space<hbm>>
      %dma_wait3A_78 = tpu.memref_squeeze %dma_wait3A_77 : memref<1x78x128xi32, #tpu.memory_space<hbm>> -> memref<78x128xi32, #tpu.memory_space<hbm>>
      %dma_wait3A_79 = arith.constant 0 : i32
      %dma_wait3A_80 = arith.constant 0 : i32
      %dma_wait3A_81 = tpu.memref_slice %arg4[%add3A, %dma_wait3A_79, %dma_wait3A_80] : memref<32x78x128xi32, #tpu.memory_space<hbm>> -> memref<1x78x128xi32, #tpu.memory_space<hbm>>
      %dma_wait3A_82 = tpu.memref_squeeze %dma_wait3A_81 : memref<1x78x128xi32, #tpu.memory_space<hbm>> -> memref<78x128xi32, #tpu.memory_space<hbm>>
      tpu.wait_dma2 semaphore(%run_scoped3A : memref<!tpu.dma_semaphore, #tpu.memory_space<semaphore_mem>>) src(%dma_wait3A_82 : memref<78x128xi32, #tpu.memory_space<hbm>>) dst(%arg10 : memref<78x128xi32, #tpu.memory_space<vmem>>)
      tpu.yield
    }) : () -> ()
    %dma_start3A = arith.constant 0 : i32
    %dma_start3A_3 = arith.constant 0 : i32
    %dma_start3A_4 = tpu.memref_slice %arg9[%dma_start3A, %dma_start3A_3] : memref<78x128xi32, #tpu.memory_space<vmem>> -> memref<1x128xi32, #tpu.memory_space<vmem>>
    %dma_start3A_5 = tpu.memref_squeeze %dma_start3A_4 : memref<1x128xi32, #tpu.memory_space<vmem>> -> memref<128xi32, #tpu.memory_space<vmem>>
    %dma_start3A_6 = arith.constant 0 : i32
    %dma_start3A_7 = arith.constant 0 : i32
    %dma_start3A_8 = tpu.memref_slice %arg2[%dma_start3A_6, %dma_start3A_7] : memref<10000x128xf32, #tpu.memory_space<hbm>> -> memref<10000x128xf32, #tpu.memory_space<hbm>>
    tpu.enqueue_indirect_dma source(%dma_start3A_8 : memref<10000x128xf32, #tpu.memory_space<hbm>>) target(%arg13 : memref<128x128xf32, #tpu.memory_space<vmem>>) offsets(%dma_start3A_5 : memref<128xi32, #tpu.memory_space<vmem>>) semaphore(%arg17 : memref<!tpu.dma_semaphore, #tpu.memory_space<semaphore_mem>>)
    %dma_start3A_9 = arith.constant 0 : i32
    %dma_start3A_10 = arith.constant 0 : i32
    %dma_start3A_11 = tpu.memref_slice %arg10[%dma_start3A_9, %dma_start3A_10] : memref<78x128xi32, #tpu.memory_space<vmem>> -> memref<1x128xi32, #tpu.memory_space<vmem>>
    %dma_start3A_12 = tpu.memref_squeeze %dma_start3A_11 : memref<1x128xi32, #tpu.memory_space<vmem>> -> memref<128xi32, #tpu.memory_space<vmem>>
    %dma_start3A_13 = arith.constant 0 : i32
    %dma_start3A_14 = arith.constant 0 : i32
    %dma_start3A_15 = tpu.memref_slice %arg2[%dma_start3A_13, %dma_start3A_14] : memref<10000x128xf32, #tpu.memory_space<hbm>> -> memref<10000x128xf32, #tpu.memory_space<hbm>>
    tpu.enqueue_indirect_dma source(%dma_start3A_15 : memref<10000x128xf32, #tpu.memory_space<hbm>>) target(%arg15 : memref<128x128xf32, #tpu.memory_space<vmem>>) offsets(%dma_start3A_12 : memref<128xi32, #tpu.memory_space<vmem>>) semaphore(%arg17 : memref<!tpu.dma_semaphore, #tpu.memory_space<semaphore_mem>>)
    %dma_start3A_16 = arith.constant 1 : i32
    %dma_start3A_17 = arith.constant 0 : i32
    %dma_start3A_18 = tpu.memref_slice %arg9[%dma_start3A_16, %dma_start3A_17] : memref<78x128xi32, #tpu.memory_space<vmem>> -> memref<1x128xi32, #tpu.memory_space<vmem>>
    %dma_start3A_19 = tpu.memref_squeeze %dma_start3A_18 : memref<1x128xi32, #tpu.memory_space<vmem>> -> memref<128xi32, #tpu.memory_space<vmem>>
    %dma_start3A_20 = arith.constant 0 : i32
    %dma_start3A_21 = arith.constant 0 : i32
    %dma_start3A_22 = tpu.memref_slice %arg2[%dma_start3A_20, %dma_start3A_21] : memref<10000x128xf32, #tpu.memory_space<hbm>> -> memref<10000x128xf32, #tpu.memory_space<hbm>>
    tpu.enqueue_indirect_dma source(%dma_start3A_22 : memref<10000x128xf32, #tpu.memory_space<hbm>>) target(%arg14 : memref<128x128xf32, #tpu.memory_space<vmem>>) offsets(%dma_start3A_19 : memref<128xi32, #tpu.memory_space<vmem>>) semaphore(%arg18 : memref<!tpu.dma_semaphore, #tpu.memory_space<semaphore_mem>>)
    %dma_start3A_23 = arith.constant 1 : i32
    %dma_start3A_24 = arith.constant 0 : i32
    %dma_start3A_25 = tpu.memref_slice %arg10[%dma_start3A_23, %dma_start3A_24] : memref<78x128xi32, #tpu.memory_space<vmem>> -> memref<1x128xi32, #tpu.memory_space<vmem>>
    %dma_start3A_26 = tpu.memref_squeeze %dma_start3A_25 : memref<1x128xi32, #tpu.memory_space<vmem>> -> memref<128xi32, #tpu.memory_space<vmem>>
    %dma_start3A_27 = arith.constant 0 : i32
    %dma_start3A_28 = arith.constant 0 : i32
    %dma_start3A_29 = tpu.memref_slice %arg2[%dma_start3A_27, %dma_start3A_28] : memref<10000x128xf32, #tpu.memory_space<hbm>> -> memref<10000x128xf32, #tpu.memory_space<hbm>>
    tpu.enqueue_indirect_dma source(%dma_start3A_29 : memref<10000x128xf32, #tpu.memory_space<hbm>>) target(%arg16 : memref<128x128xf32, #tpu.memory_space<vmem>>) offsets(%dma_start3A_26 : memref<128xi32, #tpu.memory_space<vmem>>) semaphore(%arg18 : memref<!tpu.dma_semaphore, #tpu.memory_space<semaphore_mem>>)
    %scan3A = arith.constant 0 : i32
    %scan3A_30 = arith.constant 38 : i32
    %scan3A_31 = arith.addi %scan3A, %scan3A_30 : i32
    %scan3A_32 = arith.constant 1 : i32
    scf.for %scan3A_67 = %scan3A to %scan3A_31 step %scan3A_32  : i32 {
      %mul3A_68 = arith.constant 1 : i32
      %mul3A_69 = arith.muli %scan3A_67, %mul3A_68 : i32
      %add3A_70 = arith.constant 0 : i32
      %add3A_71 = arith.addi %add3A_70, %mul3A_69 : i32
      %mul3A_72 = arith.constant 2 : i32
      %mul3A_73 = arith.muli %mul3A_72, %add3A_71 : i32
      %add3A_74 = arith.constant 0 : i32
      %add3A_75 = arith.addi %mul3A_73, %add3A_74 : i32
      %mul3A_76 = arith.constant 128 : i32
      %mul3A_77 = arith.muli %add3A_75, %mul3A_76 : i32
      %add3A_78 = arith.addi %mul3A_2, %mul3A_77 : i32
      %dma_wait3A_79 = arith.constant 0 : i32
      %dma_wait3A_80 = tpu.memref_slice %arg9[%add3A_75, %dma_wait3A_79] : memref<78x128xi32, #tpu.memory_space<vmem>> -> memref<1x128xi32, #tpu.memory_space<vmem>>
      %dma_wait3A_81 = tpu.memref_squeeze %dma_wait3A_80 : memref<1x128xi32, #tpu.memory_space<vmem>> -> memref<128xi32, #tpu.memory_space<vmem>>
      %dma_wait3A_82 = arith.constant 0 : i32
      %dma_wait3A_83 = arith.constant 0 : i32
      %dma_wait3A_84 = tpu.memref_slice %arg2[%dma_wait3A_82, %dma_wait3A_83] : memref<10000x128xf32, #tpu.memory_space<hbm>> -> memref<10000x128xf32, #tpu.memory_space<hbm>>
      tpu.wait_indirect_dma semaphore(%arg17 : memref<!tpu.dma_semaphore, #tpu.memory_space<semaphore_mem>>) src(%dma_wait3A_84 : memref<10000x128xf32, #tpu.memory_space<hbm>>) dst(%arg13 : memref<128x128xf32, #tpu.memory_space<vmem>>)
      %dma_wait3A_85 = arith.constant 0 : i32
      %dma_wait3A_86 = tpu.memref_slice %arg10[%add3A_75, %dma_wait3A_85] : memref<78x128xi32, #tpu.memory_space<vmem>> -> memref<1x128xi32, #tpu.memory_space<vmem>>
      %dma_wait3A_87 = tpu.memref_squeeze %dma_wait3A_86 : memref<1x128xi32, #tpu.memory_space<vmem>> -> memref<128xi32, #tpu.memory_space<vmem>>
      %dma_wait3A_88 = arith.constant 0 : i32
      %dma_wait3A_89 = arith.constant 0 : i32
      %dma_wait3A_90 = tpu.memref_slice %arg2[%dma_wait3A_88, %dma_wait3A_89] : memref<10000x128xf32, #tpu.memory_space<hbm>> -> memref<10000x128xf32, #tpu.memory_space<hbm>>
      tpu.wait_indirect_dma semaphore(%arg17 : memref<!tpu.dma_semaphore, #tpu.memory_space<semaphore_mem>>) src(%dma_wait3A_90 : memref<10000x128xf32, #tpu.memory_space<hbm>>) dst(%arg15 : memref<128x128xf32, #tpu.memory_space<vmem>>)
      %dma_start3A_91 = arith.constant 0 : i32
      %dma_start3A_92 = tpu.memref_slice %arg7[%add3A_78, %dma_start3A_91] : memref<320000x128xf32, #tpu.memory_space<hbm>> -> memref<128x128xf32, #tpu.memory_space<hbm>>
      %dma_start3A_93 = arith.constant 0 : i32
      %dma_start3A_94 = tpu.memref_slice %arg7[%add3A_78, %dma_start3A_93] : memref<320000x128xf32, #tpu.memory_space<hbm>> -> memref<128x128xf32, #tpu.memory_space<hbm>>
      tpu.enqueue_dma source(%arg13 : memref<128x128xf32, #tpu.memory_space<vmem>>) target(%dma_start3A_94 : memref<128x128xf32, #tpu.memory_space<hbm>>) target_semaphore(%arg19 : memref<!tpu.dma_semaphore, #tpu.memory_space<semaphore_mem>>)
      %dma_start3A_95 = arith.constant 0 : i32
      %dma_start3A_96 = tpu.memref_slice %arg8[%add3A_78, %dma_start3A_95] : memref<320000x128xf32, #tpu.memory_space<hbm>> -> memref<128x128xf32, #tpu.memory_space<hbm>>
      %dma_start3A_97 = arith.constant 0 : i32
      %dma_start3A_98 = tpu.memref_slice %arg8[%add3A_78, %dma_start3A_97] : memref<320000x128xf32, #tpu.memory_space<hbm>> -> memref<128x128xf32, #tpu.memory_space<hbm>>
      tpu.enqueue_dma source(%arg15 : memref<128x128xf32, #tpu.memory_space<vmem>>) target(%dma_start3A_98 : memref<128x128xf32, #tpu.memory_space<hbm>>) target_semaphore(%arg19 : memref<!tpu.dma_semaphore, #tpu.memory_space<semaphore_mem>>)
      %dma_wait3A_99 = arith.constant 0 : i32
      %dma_wait3A_100 = tpu.memref_slice %arg7[%add3A_78, %dma_wait3A_99] : memref<320000x128xf32, #tpu.memory_space<hbm>> -> memref<128x128xf32, #tpu.memory_space<hbm>>
      %dma_wait3A_101 = arith.constant 0 : i32
      %dma_wait3A_102 = tpu.memref_slice %arg7[%add3A_78, %dma_wait3A_101] : memref<320000x128xf32, #tpu.memory_space<hbm>> -> memref<128x128xf32, #tpu.memory_space<hbm>>
      tpu.wait_dma2 semaphore(%arg19 : memref<!tpu.dma_semaphore, #tpu.memory_space<semaphore_mem>>) src(%arg13 : memref<128x128xf32, #tpu.memory_space<vmem>>) dst(%dma_wait3A_102 : memref<128x128xf32, #tpu.memory_space<hbm>>)
      %dma_wait3A_103 = arith.constant 0 : i32
      %dma_wait3A_104 = tpu.memref_slice %arg8[%add3A_78, %dma_wait3A_103] : memref<320000x128xf32, #tpu.memory_space<hbm>> -> memref<128x128xf32, #tpu.memory_space<hbm>>
      %dma_wait3A_105 = arith.constant 0 : i32
      %dma_wait3A_106 = tpu.memref_slice %arg8[%add3A_78, %dma_wait3A_105] : memref<320000x128xf32, #tpu.memory_space<hbm>> -> memref<128x128xf32, #tpu.memory_space<hbm>>
      tpu.wait_dma2 semaphore(%arg19 : memref<!tpu.dma_semaphore, #tpu.memory_space<semaphore_mem>>) src(%arg15 : memref<128x128xf32, #tpu.memory_space<vmem>>) dst(%dma_wait3A_106 : memref<128x128xf32, #tpu.memory_space<hbm>>)
      %add3A_107 = arith.constant 2 : i32
      %add3A_108 = arith.addi %add3A_75, %add3A_107 : i32
      %dma_start3A_109 = arith.constant 0 : i32
      %dma_start3A_110 = tpu.memref_slice %arg9[%add3A_108, %dma_start3A_109] : memref<78x128xi32, #tpu.memory_space<vmem>> -> memref<1x128xi32, #tpu.memory_space<vmem>>
      %dma_start3A_111 = tpu.memref_squeeze %dma_start3A_110 : memref<1x128xi32, #tpu.memory_space<vmem>> -> memref<128xi32, #tpu.memory_space<vmem>>
      %dma_start3A_112 = arith.constant 0 : i32
      %dma_start3A_113 = arith.constant 0 : i32
      %dma_start3A_114 = tpu.memref_slice %arg2[%dma_start3A_112, %dma_start3A_113] : memref<10000x128xf32, #tpu.memory_space<hbm>> -> memref<10000x128xf32, #tpu.memory_space<hbm>>
      tpu.enqueue_indirect_dma source(%dma_start3A_114 : memref<10000x128xf32, #tpu.memory_space<hbm>>) target(%arg13 : memref<128x128xf32, #tpu.memory_space<vmem>>) offsets(%dma_start3A_111 : memref<128xi32, #tpu.memory_space<vmem>>) semaphore(%arg17 : memref<!tpu.dma_semaphore, #tpu.memory_space<semaphore_mem>>)
      %dma_start3A_115 = arith.constant 0 : i32
      %dma_start3A_116 = tpu.memref_slice %arg10[%add3A_108, %dma_start3A_115] : memref<78x128xi32, #tpu.memory_space<vmem>> -> memref<1x128xi32, #tpu.memory_space<vmem>>
      %dma_start3A_117 = tpu.memref_squeeze %dma_start3A_116 : memref<1x128xi32, #tpu.memory_space<vmem>> -> memref<128xi32, #tpu.memory_space<vmem>>
      %dma_start3A_118 = arith.constant 0 : i32
      %dma_start3A_119 = arith.constant 0 : i32
      %dma_start3A_120 = tpu.memref_slice %arg2[%dma_start3A_118, %dma_start3A_119] : memref<10000x128xf32, #tpu.memory_space<hbm>> -> memref<10000x128xf32, #tpu.memory_space<hbm>>
      tpu.enqueue_indirect_dma source(%dma_start3A_120 : memref<10000x128xf32, #tpu.memory_space<hbm>>) target(%arg15 : memref<128x128xf32, #tpu.memory_space<vmem>>) offsets(%dma_start3A_117 : memref<128xi32, #tpu.memory_space<vmem>>) semaphore(%arg17 : memref<!tpu.dma_semaphore, #tpu.memory_space<semaphore_mem>>)
      %mul3A_121 = arith.constant 2 : i32
      %mul3A_122 = arith.muli %mul3A_121, %add3A_71 : i32
      %add3A_123 = arith.constant 1 : i32
      %add3A_124 = arith.addi %mul3A_122, %add3A_123 : i32
      %mul3A_125 = arith.constant 128 : i32
      %mul3A_126 = arith.muli %add3A_124, %mul3A_125 : i32
      %add3A_127 = arith.addi %mul3A_2, %mul3A_126 : i32
      %dma_wait3A_128 = arith.constant 0 : i32
      %dma_wait3A_129 = tpu.memref_slice %arg9[%add3A_124, %dma_wait3A_128] : memref<78x128xi32, #tpu.memory_space<vmem>> -> memref<1x128xi32, #tpu.memory_space<vmem>>
      %dma_wait3A_130 = tpu.memref_squeeze %dma_wait3A_129 : memref<1x128xi32, #tpu.memory_space<vmem>> -> memref<128xi32, #tpu.memory_space<vmem>>
      %dma_wait3A_131 = arith.constant 0 : i32
      %dma_wait3A_132 = arith.constant 0 : i32
      %dma_wait3A_133 = tpu.memref_slice %arg2[%dma_wait3A_131, %dma_wait3A_132] : memref<10000x128xf32, #tpu.memory_space<hbm>> -> memref<10000x128xf32, #tpu.memory_space<hbm>>
      tpu.wait_indirect_dma semaphore(%arg18 : memref<!tpu.dma_semaphore, #tpu.memory_space<semaphore_mem>>) src(%dma_wait3A_133 : memref<10000x128xf32, #tpu.memory_space<hbm>>) dst(%arg14 : memref<128x128xf32, #tpu.memory_space<vmem>>)
      %dma_wait3A_134 = arith.constant 0 : i32
      %dma_wait3A_135 = tpu.memref_slice %arg10[%add3A_124, %dma_wait3A_134] : memref<78x128xi32, #tpu.memory_space<vmem>> -> memref<1x128xi32, #tpu.memory_space<vmem>>
      %dma_wait3A_136 = tpu.memref_squeeze %dma_wait3A_135 : memref<1x128xi32, #tpu.memory_space<vmem>> -> memref<128xi32, #tpu.memory_space<vmem>>
      %dma_wait3A_137 = arith.constant 0 : i32
      %dma_wait3A_138 = arith.constant 0 : i32
      %dma_wait3A_139 = tpu.memref_slice %arg2[%dma_wait3A_137, %dma_wait3A_138] : memref<10000x128xf32, #tpu.memory_space<hbm>> -> memref<10000x128xf32, #tpu.memory_space<hbm>>
      tpu.wait_indirect_dma semaphore(%arg18 : memref<!tpu.dma_semaphore, #tpu.memory_space<semaphore_mem>>) src(%dma_wait3A_139 : memref<10000x128xf32, #tpu.memory_space<hbm>>) dst(%arg16 : memref<128x128xf32, #tpu.memory_space<vmem>>)
      %dma_start3A_140 = arith.constant 0 : i32
      %dma_start3A_141 = tpu.memref_slice %arg7[%add3A_127, %dma_start3A_140] : memref<320000x128xf32, #tpu.memory_space<hbm>> -> memref<128x128xf32, #tpu.memory_space<hbm>>
      %dma_start3A_142 = arith.constant 0 : i32
      %dma_start3A_143 = tpu.memref_slice %arg7[%add3A_127, %dma_start3A_142] : memref<320000x128xf32, #tpu.memory_space<hbm>> -> memref<128x128xf32, #tpu.memory_space<hbm>>
      tpu.enqueue_dma source(%arg14 : memref<128x128xf32, #tpu.memory_space<vmem>>) target(%dma_start3A_143 : memref<128x128xf32, #tpu.memory_space<hbm>>) target_semaphore(%arg20 : memref<!tpu.dma_semaphore, #tpu.memory_space<semaphore_mem>>)
      %dma_start3A_144 = arith.constant 0 : i32
      %dma_start3A_145 = tpu.memref_slice %arg8[%add3A_127, %dma_start3A_144] : memref<320000x128xf32, #tpu.memory_space<hbm>> -> memref<128x128xf32, #tpu.memory_space<hbm>>
      %dma_start3A_146 = arith.constant 0 : i32
      %dma_start3A_147 = tpu.memref_slice %arg8[%add3A_127, %dma_start3A_146] : memref<320000x128xf32, #tpu.memory_space<hbm>> -> memref<128x128xf32, #tpu.memory_space<hbm>>
      tpu.enqueue_dma source(%arg16 : memref<128x128xf32, #tpu.memory_space<vmem>>) target(%dma_start3A_147 : memref<128x128xf32, #tpu.memory_space<hbm>>) target_semaphore(%arg20 : memref<!tpu.dma_semaphore, #tpu.memory_space<semaphore_mem>>)
      %dma_wait3A_148 = arith.constant 0 : i32
      %dma_wait3A_149 = tpu.memref_slice %arg7[%add3A_127, %dma_wait3A_148] : memref<320000x128xf32, #tpu.memory_space<hbm>> -> memref<128x128xf32, #tpu.memory_space<hbm>>
      %dma_wait3A_150 = arith.constant 0 : i32
      %dma_wait3A_151 = tpu.memref_slice %arg7[%add3A_127, %dma_wait3A_150] : memref<320000x128xf32, #tpu.memory_space<hbm>> -> memref<128x128xf32, #tpu.memory_space<hbm>>
      tpu.wait_dma2 semaphore(%arg20 : memref<!tpu.dma_semaphore, #tpu.memory_space<semaphore_mem>>) src(%arg14 : memref<128x128xf32, #tpu.memory_space<vmem>>) dst(%dma_wait3A_151 : memref<128x128xf32, #tpu.memory_space<hbm>>)
      %dma_wait3A_152 = arith.constant 0 : i32
      %dma_wait3A_153 = tpu.memref_slice %arg8[%add3A_127, %dma_wait3A_152] : memref<320000x128xf32, #tpu.memory_space<hbm>> -> memref<128x128xf32, #tpu.memory_space<hbm>>
      %dma_wait3A_154 = arith.constant 0 : i32
      %dma_wait3A_155 = tpu.memref_slice %arg8[%add3A_127, %dma_wait3A_154] : memref<320000x128xf32, #tpu.memory_space<hbm>> -> memref<128x128xf32, #tpu.memory_space<hbm>>
      tpu.wait_dma2 semaphore(%arg20 : memref<!tpu.dma_semaphore, #tpu.memory_space<semaphore_mem>>) src(%arg16 : memref<128x128xf32, #tpu.memory_space<vmem>>) dst(%dma_wait3A_155 : memref<128x128xf32, #tpu.memory_space<hbm>>)
      %add3A_156 = arith.constant 2 : i32
      %add3A_157 = arith.addi %add3A_124, %add3A_156 : i32
      %dma_start3A_158 = arith.constant 0 : i32
      %dma_start3A_159 = tpu.memref_slice %arg9[%add3A_157, %dma_start3A_158] : memref<78x128xi32, #tpu.memory_space<vmem>> -> memref<1x128xi32, #tpu.memory_space<vmem>>
      %dma_start3A_160 = tpu.memref_squeeze %dma_start3A_159 : memref<1x128xi32, #tpu.memory_space<vmem>> -> memref<128xi32, #tpu.memory_space<vmem>>
      %dma_start3A_161 = arith.constant 0 : i32
      %dma_start3A_162 = arith.constant 0 : i32
      %dma_start3A_163 = tpu.memref_slice %arg2[%dma_start3A_161, %dma_start3A_162] : memref<10000x128xf32, #tpu.memory_space<hbm>> -> memref<10000x128xf32, #tpu.memory_space<hbm>>
      tpu.enqueue_indirect_dma source(%dma_start3A_163 : memref<10000x128xf32, #tpu.memory_space<hbm>>) target(%arg14 : memref<128x128xf32, #tpu.memory_space<vmem>>) offsets(%dma_start3A_160 : memref<128xi32, #tpu.memory_space<vmem>>) semaphore(%arg18 : memref<!tpu.dma_semaphore, #tpu.memory_space<semaphore_mem>>)
      %dma_start3A_164 = arith.constant 0 : i32
      %dma_start3A_165 = tpu.memref_slice %arg10[%add3A_157, %dma_start3A_164] : memref<78x128xi32, #tpu.memory_space<vmem>> -> memref<1x128xi32, #tpu.memory_space<vmem>>
      %dma_start3A_166 = tpu.memref_squeeze %dma_start3A_165 : memref<1x128xi32, #tpu.memory_space<vmem>> -> memref<128xi32, #tpu.memory_space<vmem>>
      %dma_start3A_167 = arith.constant 0 : i32
      %dma_start3A_168 = arith.constant 0 : i32
      %dma_start3A_169 = tpu.memref_slice %arg2[%dma_start3A_167, %dma_start3A_168] : memref<10000x128xf32, #tpu.memory_space<hbm>> -> memref<10000x128xf32, #tpu.memory_space<hbm>>
      tpu.enqueue_indirect_dma source(%dma_start3A_169 : memref<10000x128xf32, #tpu.memory_space<hbm>>) target(%arg16 : memref<128x128xf32, #tpu.memory_space<vmem>>) offsets(%dma_start3A_166 : memref<128xi32, #tpu.memory_space<vmem>>) semaphore(%arg18 : memref<!tpu.dma_semaphore, #tpu.memory_space<semaphore_mem>>)
    }
    %scan3A_33 = arith.constant 38 : i32
    %add3A_34 = arith.constant 9728 : i32
    %add3A_35 = arith.addi %mul3A_2, %add3A_34 : i32
    %dma_wait3A = arith.constant 76 : i32
    %dma_wait3A_36 = arith.constant 0 : i32
    %dma_wait3A_37 = tpu.memref_slice %arg9[%dma_wait3A, %dma_wait3A_36] : memref<78x128xi32, #tpu.memory_space<vmem>> -> memref<1x128xi32, #tpu.memory_space<vmem>>
    %dma_wait3A_38 = tpu.memref_squeeze %dma_wait3A_37 : memref<1x128xi32, #tpu.memory_space<vmem>> -> memref<128xi32, #tpu.memory_space<vmem>>
    %dma_wait3A_39 = arith.constant 0 : i32
    %dma_wait3A_40 = arith.constant 0 : i32
    %dma_wait3A_41 = tpu.memref_slice %arg2[%dma_wait3A_39, %dma_wait3A_40] : memref<10000x128xf32, #tpu.memory_space<hbm>> -> memref<10000x128xf32, #tpu.memory_space<hbm>>
    tpu.wait_indirect_dma semaphore(%arg17 : memref<!tpu.dma_semaphore, #tpu.memory_space<semaphore_mem>>) src(%dma_wait3A_41 : memref<10000x128xf32, #tpu.memory_space<hbm>>) dst(%arg13 : memref<128x128xf32, #tpu.memory_space<vmem>>)
    %dma_wait3A_42 = arith.constant 76 : i32
    %dma_wait3A_43 = arith.constant 0 : i32
    %dma_wait3A_44 = tpu.memref_slice %arg10[%dma_wait3A_42, %dma_wait3A_43] : memref<78x128xi32, #tpu.memory_space<vmem>> -> memref<1x128xi32, #tpu.memory_space<vmem>>
    %dma_wait3A_45 = tpu.memref_squeeze %dma_wait3A_44 : memref<1x128xi32, #tpu.memory_space<vmem>> -> memref<128xi32, #tpu.memory_space<vmem>>
    %dma_wait3A_46 = arith.constant 0 : i32
    %dma_wait3A_47 = arith.constant 0 : i32
    %dma_wait3A_48 = tpu.memref_slice %arg2[%dma_wait3A_46, %dma_wait3A_47] : memref<10000x128xf32, #tpu.memory_space<hbm>> -> memref<10000x128xf32, #tpu.memory_space<hbm>>
    tpu.wait_indirect_dma semaphore(%arg17 : memref<!tpu.dma_semaphore, #tpu.memory_space<semaphore_mem>>) src(%dma_wait3A_48 : memref<10000x128xf32, #tpu.memory_space<hbm>>) dst(%arg15 : memref<128x128xf32, #tpu.memory_space<vmem>>)
    "tpu.region"() ({
      %run_scoped3A = tpu.sem_alloc : memref<!tpu.dma_semaphore, #tpu.memory_space<semaphore_mem>>
      %dma_start3A_67 = arith.constant 0 : i32
      %dma_start3A_68 = tpu.memref_slice %arg7[%add3A_35, %dma_start3A_67] : memref<320000x128xf32, #tpu.memory_space<hbm>> -> memref<128x128xf32, #tpu.memory_space<hbm>>
      %dma_start3A_69 = arith.constant 0 : i32
      %dma_start3A_70 = tpu.memref_slice %arg7[%add3A_35, %dma_start3A_69] : memref<320000x128xf32, #tpu.memory_space<hbm>> -> memref<128x128xf32, #tpu.memory_space<hbm>>
      tpu.enqueue_dma source(%arg13 : memref<128x128xf32, #tpu.memory_space<vmem>>) target(%dma_start3A_70 : memref<128x128xf32, #tpu.memory_space<hbm>>) target_semaphore(%run_scoped3A : memref<!tpu.dma_semaphore, #tpu.memory_space<semaphore_mem>>)
      %dma_wait3A_71 = arith.constant 0 : i32
      %dma_wait3A_72 = tpu.memref_slice %arg7[%add3A_35, %dma_wait3A_71] : memref<320000x128xf32, #tpu.memory_space<hbm>> -> memref<128x128xf32, #tpu.memory_space<hbm>>
      %dma_wait3A_73 = arith.constant 0 : i32
      %dma_wait3A_74 = tpu.memref_slice %arg7[%add3A_35, %dma_wait3A_73] : memref<320000x128xf32, #tpu.memory_space<hbm>> -> memref<128x128xf32, #tpu.memory_space<hbm>>
      tpu.wait_dma2 semaphore(%run_scoped3A : memref<!tpu.dma_semaphore, #tpu.memory_space<semaphore_mem>>) src(%arg13 : memref<128x128xf32, #tpu.memory_space<vmem>>) dst(%dma_wait3A_74 : memref<128x128xf32, #tpu.memory_space<hbm>>)
      tpu.yield
    }) : () -> ()
    "tpu.region"() ({
      %run_scoped3A = tpu.sem_alloc : memref<!tpu.dma_semaphore, #tpu.memory_space<semaphore_mem>>
      %dma_start3A_67 = arith.constant 0 : i32
      %dma_start3A_68 = tpu.memref_slice %arg8[%add3A_35, %dma_start3A_67] : memref<320000x128xf32, #tpu.memory_space<hbm>> -> memref<128x128xf32, #tpu.memory_space<hbm>>
      %dma_start3A_69 = arith.constant 0 : i32
      %dma_start3A_70 = tpu.memref_slice %arg8[%add3A_35, %dma_start3A_69] : memref<320000x128xf32, #tpu.memory_space<hbm>> -> memref<128x128xf32, #tpu.memory_space<hbm>>
      tpu.enqueue_dma source(%arg15 : memref<128x128xf32, #tpu.memory_space<vmem>>) target(%dma_start3A_70 : memref<128x128xf32, #tpu.memory_space<hbm>>) target_semaphore(%run_scoped3A : memref<!tpu.dma_semaphore, #tpu.memory_space<semaphore_mem>>)
      %dma_wait3A_71 = arith.constant 0 : i32
      %dma_wait3A_72 = tpu.memref_slice %arg8[%add3A_35, %dma_wait3A_71] : memref<320000x128xf32, #tpu.memory_space<hbm>> -> memref<128x128xf32, #tpu.memory_space<hbm>>
      %dma_wait3A_73 = arith.constant 0 : i32
      %dma_wait3A_74 = tpu.memref_slice %arg8[%add3A_35, %dma_wait3A_73] : memref<320000x128xf32, #tpu.memory_space<hbm>> -> memref<128x128xf32, #tpu.memory_space<hbm>>
      tpu.wait_dma2 semaphore(%run_scoped3A : memref<!tpu.dma_semaphore, #tpu.memory_space<semaphore_mem>>) src(%arg15 : memref<128x128xf32, #tpu.memory_space<vmem>>) dst(%dma_wait3A_74 : memref<128x128xf32, #tpu.memory_space<hbm>>)
      tpu.yield
    }) : () -> ()
    %add3A_49 = arith.constant 9856 : i32
    %add3A_50 = arith.addi %mul3A_2, %add3A_49 : i32
    %dma_wait3A_51 = arith.constant 77 : i32
    %dma_wait3A_52 = arith.constant 0 : i32
    %dma_wait3A_53 = tpu.memref_slice %arg9[%dma_wait3A_51, %dma_wait3A_52] : memref<78x128xi32, #tpu.memory_space<vmem>> -> memref<1x128xi32, #tpu.memory_space<vmem>>
    %dma_wait3A_54 = tpu.memref_squeeze %dma_wait3A_53 : memref<1x128xi32, #tpu.memory_space<vmem>> -> memref<128xi32, #tpu.memory_space<vmem>>
    %dma_wait3A_55 = arith.constant 0 : i32
    %dma_wait3A_56 = arith.constant 0 : i32
    %dma_wait3A_57 = tpu.memref_slice %arg2[%dma_wait3A_55, %dma_wait3A_56] : memref<10000x128xf32, #tpu.memory_space<hbm>> -> memref<10000x128xf32, #tpu.memory_space<hbm>>
    tpu.wait_indirect_dma semaphore(%arg18 : memref<!tpu.dma_semaphore, #tpu.memory_space<semaphore_mem>>) src(%dma_wait3A_57 : memref<10000x128xf32, #tpu.memory_space<hbm>>) dst(%arg14 : memref<128x128xf32, #tpu.memory_space<vmem>>)
    %dma_wait3A_58 = arith.constant 77 : i32
    %dma_wait3A_59 = arith.constant 0 : i32
    %dma_wait3A_60 = tpu.memref_slice %arg10[%dma_wait3A_58, %dma_wait3A_59] : memref<78x128xi32, #tpu.memory_space<vmem>> -> memref<1x128xi32, #tpu.memory_space<vmem>>
    %dma_wait3A_61 = tpu.memref_squeeze %dma_wait3A_60 : memref<1x128xi32, #tpu.memory_space<vmem>> -> memref<128xi32, #tpu.memory_space<vmem>>
    %dma_wait3A_62 = arith.constant 0 : i32
    %dma_wait3A_63 = arith.constant 0 : i32
    %dma_wait3A_64 = tpu.memref_slice %arg2[%dma_wait3A_62, %dma_wait3A_63] : memref<10000x128xf32, #tpu.memory_space<hbm>> -> memref<10000x128xf32, #tpu.memory_space<hbm>>
    tpu.wait_indirect_dma semaphore(%arg18 : memref<!tpu.dma_semaphore, #tpu.memory_space<semaphore_mem>>) src(%dma_wait3A_64 : memref<10000x128xf32, #tpu.memory_space<hbm>>) dst(%arg16 : memref<128x128xf32, #tpu.memory_space<vmem>>)
    "tpu.region"() ({
      %run_scoped3A = tpu.sem_alloc : memref<!tpu.dma_semaphore, #tpu.memory_space<semaphore_mem>>
      %dma_start3A_67 = arith.constant 0 : i32
      %dma_start3A_68 = tpu.memref_slice %arg7[%add3A_50, %dma_start3A_67] : memref<320000x128xf32, #tpu.memory_space<hbm>> -> memref<128x128xf32, #tpu.memory_space<hbm>>
      %dma_start3A_69 = arith.constant 0 : i32
      %dma_start3A_70 = tpu.memref_slice %arg7[%add3A_50, %dma_start3A_69] : memref<320000x128xf32, #tpu.memory_space<hbm>> -> memref<128x128xf32, #tpu.memory_space<hbm>>
      tpu.enqueue_dma source(%arg14 : memref<128x128xf32, #tpu.memory_space<vmem>>) target(%dma_start3A_70 : memref<128x128xf32, #tpu.memory_space<hbm>>) target_semaphore(%run_scoped3A : memref<!tpu.dma_semaphore, #tpu.memory_space<semaphore_mem>>)
      %dma_wait3A_71 = arith.constant 0 : i32
      %dma_wait3A_72 = tpu.memref_slice %arg7[%add3A_50, %dma_wait3A_71] : memref<320000x128xf32, #tpu.memory_space<hbm>> -> memref<128x128xf32, #tpu.memory_space<hbm>>
      %dma_wait3A_73 = arith.constant 0 : i32
      %dma_wait3A_74 = tpu.memref_slice %arg7[%add3A_50, %dma_wait3A_73] : memref<320000x128xf32, #tpu.memory_space<hbm>> -> memref<128x128xf32, #tpu.memory_space<hbm>>
      tpu.wait_dma2 semaphore(%run_scoped3A : memref<!tpu.dma_semaphore, #tpu.memory_space<semaphore_mem>>) src(%arg14 : memref<128x128xf32, #tpu.memory_space<vmem>>) dst(%dma_wait3A_74 : memref<128x128xf32, #tpu.memory_space<hbm>>)
      tpu.yield
    }) : () -> ()
    "tpu.region"() ({
      %run_scoped3A = tpu.sem_alloc : memref<!tpu.dma_semaphore, #tpu.memory_space<semaphore_mem>>
      %dma_start3A_67 = arith.constant 0 : i32
      %dma_start3A_68 = tpu.memref_slice %arg8[%add3A_50, %dma_start3A_67] : memref<320000x128xf32, #tpu.memory_space<hbm>> -> memref<128x128xf32, #tpu.memory_space<hbm>>
      %dma_start3A_69 = arith.constant 0 : i32
      %dma_start3A_70 = tpu.memref_slice %arg8[%add3A_50, %dma_start3A_69] : memref<320000x128xf32, #tpu.memory_space<hbm>> -> memref<128x128xf32, #tpu.memory_space<hbm>>
      tpu.enqueue_dma source(%arg16 : memref<128x128xf32, #tpu.memory_space<vmem>>) target(%dma_start3A_70 : memref<128x128xf32, #tpu.memory_space<hbm>>) target_semaphore(%run_scoped3A : memref<!tpu.dma_semaphore, #tpu.memory_space<semaphore_mem>>)
      %dma_wait3A_71 = arith.constant 0 : i32
      %dma_wait3A_72 = tpu.memref_slice %arg8[%add3A_50, %dma_wait3A_71] : memref<320000x128xf32, #tpu.memory_space<hbm>> -> memref<128x128xf32, #tpu.memory_space<hbm>>
      %dma_wait3A_73 = arith.constant 0 : i32
      %dma_wait3A_74 = tpu.memref_slice %arg8[%add3A_50, %dma_wait3A_73] : memref<320000x128xf32, #tpu.memory_space<hbm>> -> memref<128x128xf32, #tpu.memory_space<hbm>>
      tpu.wait_dma2 semaphore(%run_scoped3A : memref<!tpu.dma_semaphore, #tpu.memory_space<semaphore_mem>>) src(%arg16 : memref<128x128xf32, #tpu.memory_space<vmem>>) dst(%dma_wait3A_74 : memref<128x128xf32, #tpu.memory_space<hbm>>)
      tpu.yield
    }) : () -> ()
    %lt3A = arith.constant 4 : i32
    %lt3A_65 = arith.cmpi slt, %add3A, %lt3A : i32
    %convert_element_type3A = arith.extui %lt3A_65 : i1 to i32
    %cond3A = arith.constant 0 : i32
    %cond3A_66 = arith.cmpi ne, %convert_element_type3A, %cond3A : i32
    scf.if %cond3A_66 {
      %mul3A_67 = arith.constant 128 : i32
      %mul3A_68 = arith.muli %add3A, %mul3A_67 : i32
      %add3A_69 = arith.constant 319488 : i32
      %add3A_70 = arith.addi %add3A_69, %mul3A_68 : i32
      %run_scoped3A = arith.constant 0 : i32
      "tpu.region"() ({
        %run_scoped3A_100 = tpu.sem_alloc : memref<!tpu.dma_semaphore, #tpu.memory_space<semaphore_mem>>
        %dma_start3A_101 = arith.constant 0 : i32
        %dma_start3A_102 = tpu.memref_slice %arg11[%run_scoped3A, %dma_start3A_101] : memref<1x128xi32, #tpu.memory_space<vmem>> -> memref<1x128xi32, #tpu.memory_space<vmem>>
        %dma_start3A_103 = tpu.memref_squeeze %dma_start3A_102 : memref<1x128xi32, #tpu.memory_space<vmem>> -> memref<128xi32, #tpu.memory_space<vmem>>
        %dma_start3A_104 = arith.constant 0 : i32
        %dma_start3A_105 = tpu.memref_slice %arg5[%add3A, %dma_start3A_104] : memref<4x128xi32, #tpu.memory_space<hbm>> -> memref<1x128xi32, #tpu.memory_space<hbm>>
        %dma_start3A_106 = tpu.memref_squeeze %dma_start3A_105 : memref<1x128xi32, #tpu.memory_space<hbm>> -> memref<128xi32, #tpu.memory_space<hbm>>
        %dma_start3A_107 = arith.constant 0 : i32
        %dma_start3A_108 = tpu.memref_slice %arg11[%run_scoped3A, %dma_start3A_107] : memref<1x128xi32, #tpu.memory_space<vmem>> -> memref<1x128xi32, #tpu.memory_space<vmem>>
        %dma_start3A_109 = tpu.memref_squeeze %dma_start3A_108 : memref<1x128xi32, #tpu.memory_space<vmem>> -> memref<128xi32, #tpu.memory_space<vmem>>
        %dma_start3A_110 = arith.constant 0 : i32
        %dma_start3A_111 = tpu.memref_slice %arg5[%add3A, %dma_start3A_110] : memref<4x128xi32, #tpu.memory_space<hbm>> -> memref<1x128xi32, #tpu.memory_space<hbm>>
        %dma_start3A_112 = tpu.memref_squeeze %dma_start3A_111 : memref<1x128xi32, #tpu.memory_space<hbm>> -> memref<128xi32, #tpu.memory_space<hbm>>
        tpu.enqueue_dma source(%dma_start3A_112 : memref<128xi32, #tpu.memory_space<hbm>>) target(%dma_start3A_109 : memref<128xi32, #tpu.memory_space<vmem>>) target_semaphore(%run_scoped3A_100 : memref<!tpu.dma_semaphore, #tpu.memory_space<semaphore_mem>>)
        %dma_wait3A_113 = arith.constant 0 : i32
        %dma_wait3A_114 = tpu.memref_slice %arg11[%run_scoped3A, %dma_wait3A_113] : memref<1x128xi32, #tpu.memory_space<vmem>> -> memref<1x128xi32, #tpu.memory_space<vmem>>
        %dma_wait3A_115 = tpu.memref_squeeze %dma_wait3A_114 : memref<1x128xi32, #tpu.memory_space<vmem>> -> memref<128xi32, #tpu.memory_space<vmem>>
        %dma_wait3A_116 = arith.constant 0 : i32
        %dma_wait3A_117 = tpu.memref_slice %arg5[%add3A, %dma_wait3A_116] : memref<4x128xi32, #tpu.memory_space<hbm>> -> memref<1x128xi32, #tpu.memory_space<hbm>>
        %dma_wait3A_118 = tpu.memref_squeeze %dma_wait3A_117 : memref<1x128xi32, #tpu.memory_space<hbm>> -> memref<128xi32, #tpu.memory_space<hbm>>
        %dma_wait3A_119 = arith.constant 0 : i32
        %dma_wait3A_120 = tpu.memref_slice %arg11[%run_scoped3A, %dma_wait3A_119] : memref<1x128xi32, #tpu.memory_space<vmem>> -> memref<1x128xi32, #tpu.memory_space<vmem>>
        %dma_wait3A_121 = tpu.memref_squeeze %dma_wait3A_120 : memref<1x128xi32, #tpu.memory_space<vmem>> -> memref<128xi32, #tpu.memory_space<vmem>>
        %dma_wait3A_122 = arith.constant 0 : i32
        %dma_wait3A_123 = tpu.memref_slice %arg5[%add3A, %dma_wait3A_122] : memref<4x128xi32, #tpu.memory_space<hbm>> -> memref<1x128xi32, #tpu.memory_space<hbm>>
        %dma_wait3A_124 = tpu.memref_squeeze %dma_wait3A_123 : memref<1x128xi32, #tpu.memory_space<hbm>> -> memref<128xi32, #tpu.memory_space<hbm>>
        tpu.wait_dma2 semaphore(%run_scoped3A_100 : memref<!tpu.dma_semaphore, #tpu.memory_space<semaphore_mem>>) src(%dma_wait3A_124 : memref<128xi32, #tpu.memory_space<hbm>>) dst(%dma_wait3A_121 : memref<128xi32, #tpu.memory_space<vmem>>)
        tpu.yield
      }) : () -> ()
      %run_scoped3A_71 = arith.constant 0 : i32
      "tpu.region"() ({
        %run_scoped3A_100 = tpu.sem_alloc : memref<!tpu.dma_semaphore, #tpu.memory_space<semaphore_mem>>
        %dma_start3A_101 = arith.constant 0 : i32
        %dma_start3A_102 = tpu.memref_slice %arg12[%run_scoped3A_71, %dma_start3A_101] : memref<1x128xi32, #tpu.memory_space<vmem>> -> memref<1x128xi32, #tpu.memory_space<vmem>>
        %dma_start3A_103 = tpu.memref_squeeze %dma_start3A_102 : memref<1x128xi32, #tpu.memory_space<vmem>> -> memref<128xi32, #tpu.memory_space<vmem>>
        %dma_start3A_104 = arith.constant 0 : i32
        %dma_start3A_105 = tpu.memref_slice %arg6[%add3A, %dma_start3A_104] : memref<4x128xi32, #tpu.memory_space<hbm>> -> memref<1x128xi32, #tpu.memory_space<hbm>>
        %dma_start3A_106 = tpu.memref_squeeze %dma_start3A_105 : memref<1x128xi32, #tpu.memory_space<hbm>> -> memref<128xi32, #tpu.memory_space<hbm>>
        %dma_start3A_107 = arith.constant 0 : i32
        %dma_start3A_108 = tpu.memref_slice %arg12[%run_scoped3A_71, %dma_start3A_107] : memref<1x128xi32, #tpu.memory_space<vmem>> -> memref<1x128xi32, #tpu.memory_space<vmem>>
        %dma_start3A_109 = tpu.memref_squeeze %dma_start3A_108 : memref<1x128xi32, #tpu.memory_space<vmem>> -> memref<128xi32, #tpu.memory_space<vmem>>
        %dma_start3A_110 = arith.constant 0 : i32
        %dma_start3A_111 = tpu.memref_slice %arg6[%add3A, %dma_start3A_110] : memref<4x128xi32, #tpu.memory_space<hbm>> -> memref<1x128xi32, #tpu.memory_space<hbm>>
        %dma_start3A_112 = tpu.memref_squeeze %dma_start3A_111 : memref<1x128xi32, #tpu.memory_space<hbm>> -> memref<128xi32, #tpu.memory_space<hbm>>
        tpu.enqueue_dma source(%dma_start3A_112 : memref<128xi32, #tpu.memory_space<hbm>>) target(%dma_start3A_109 : memref<128xi32, #tpu.memory_space<vmem>>) target_semaphore(%run_scoped3A_100 : memref<!tpu.dma_semaphore, #tpu.memory_space<semaphore_mem>>)
        %dma_wait3A_113 = arith.constant 0 : i32
        %dma_wait3A_114 = tpu.memref_slice %arg12[%run_scoped3A_71, %dma_wait3A_113] : memref<1x128xi32, #tpu.memory_space<vmem>> -> memref<1x128xi32, #tpu.memory_space<vmem>>
        %dma_wait3A_115 = tpu.memref_squeeze %dma_wait3A_114 : memref<1x128xi32, #tpu.memory_space<vmem>> -> memref<128xi32, #tpu.memory_space<vmem>>
        %dma_wait3A_116 = arith.constant 0 : i32
        %dma_wait3A_117 = tpu.memref_slice %arg6[%add3A, %dma_wait3A_116] : memref<4x128xi32, #tpu.memory_space<hbm>> -> memref<1x128xi32, #tpu.memory_space<hbm>>
        %dma_wait3A_118 = tpu.memref_squeeze %dma_wait3A_117 : memref<1x128xi32, #tpu.memory_space<hbm>> -> memref<128xi32, #tpu.memory_space<hbm>>
        %dma_wait3A_119 = arith.constant 0 : i32
        %dma_wait3A_120 = tpu.memref_slice %arg12[%run_scoped3A_71, %dma_wait3A_119] : memref<1x128xi32, #tpu.memory_space<vmem>> -> memref<1x128xi32, #tpu.memory_space<vmem>>
        %dma_wait3A_121 = tpu.memref_squeeze %dma_wait3A_120 : memref<1x128xi32, #tpu.memory_space<vmem>> -> memref<128xi32, #tpu.memory_space<vmem>>
        %dma_wait3A_122 = arith.constant 0 : i32
        %dma_wait3A_123 = tpu.memref_slice %arg6[%add3A, %dma_wait3A_122] : memref<4x128xi32, #tpu.memory_space<hbm>> -> memref<1x128xi32, #tpu.memory_space<hbm>>
        %dma_wait3A_124 = tpu.memref_squeeze %dma_wait3A_123 : memref<1x128xi32, #tpu.memory_space<hbm>> -> memref<128xi32, #tpu.memory_space<hbm>>
        tpu.wait_dma2 semaphore(%run_scoped3A_100 : memref<!tpu.dma_semaphore, #tpu.memory_space<semaphore_mem>>) src(%dma_wait3A_124 : memref<128xi32, #tpu.memory_space<hbm>>) dst(%dma_wait3A_121 : memref<128xi32, #tpu.memory_space<vmem>>)
        tpu.yield
      }) : () -> ()
      %dma_start3A_72 = arith.constant 0 : i32
      %dma_start3A_73 = arith.constant 0 : i32
      %dma_start3A_74 = tpu.memref_slice %arg11[%dma_start3A_72, %dma_start3A_73] : memref<1x128xi32, #tpu.memory_space<vmem>> -> memref<1x128xi32, #tpu.memory_space<vmem>>
      %dma_start3A_75 = tpu.memref_squeeze %dma_start3A_74 : memref<1x128xi32, #tpu.memory_space<vmem>> -> memref<128xi32, #tpu.memory_space<vmem>>
      %dma_start3A_76 = arith.constant 0 : i32
      %dma_start3A_77 = arith.constant 0 : i32
      %dma_start3A_78 = tpu.memref_slice %arg2[%dma_start3A_76, %dma_start3A_77] : memref<10000x128xf32, #tpu.memory_space<hbm>> -> memref<10000x128xf32, #tpu.memory_space<hbm>>
      tpu.enqueue_indirect_dma source(%dma_start3A_78 : memref<10000x128xf32, #tpu.memory_space<hbm>>) target(%arg13 : memref<128x128xf32, #tpu.memory_space<vmem>>) offsets(%dma_start3A_75 : memref<128xi32, #tpu.memory_space<vmem>>) semaphore(%arg17 : memref<!tpu.dma_semaphore, #tpu.memory_space<semaphore_mem>>)
      %dma_start3A_79 = arith.constant 0 : i32
      %dma_start3A_80 = arith.constant 0 : i32
      %dma_start3A_81 = tpu.memref_slice %arg12[%dma_start3A_79, %dma_start3A_80] : memref<1x128xi32, #tpu.memory_space<vmem>> -> memref<1x128xi32, #tpu.memory_space<vmem>>
      %dma_start3A_82 = tpu.memref_squeeze %dma_start3A_81 : memref<1x128xi32, #tpu.memory_space<vmem>> -> memref<128xi32, #tpu.memory_space<vmem>>
      %dma_start3A_83 = arith.constant 0 : i32
      %dma_start3A_84 = arith.constant 0 : i32
      %dma_start3A_85 = tpu.memref_slice %arg2[%dma_start3A_83, %dma_start3A_84] : memref<10000x128xf32, #tpu.memory_space<hbm>> -> memref<10000x128xf32, #tpu.memory_space<hbm>>
      tpu.enqueue_indirect_dma source(%dma_start3A_85 : memref<10000x128xf32, #tpu.memory_space<hbm>>) target(%arg15 : memref<128x128xf32, #tpu.memory_space<vmem>>) offsets(%dma_start3A_82 : memref<128xi32, #tpu.memory_space<vmem>>) semaphore(%arg17 : memref<!tpu.dma_semaphore, #tpu.memory_space<semaphore_mem>>)
      %dma_wait3A_86 = arith.constant 0 : i32
      %dma_wait3A_87 = arith.constant 0 : i32
      %dma_wait3A_88 = tpu.memref_slice %arg11[%dma_wait3A_86, %dma_wait3A_87] : memref<1x128xi32, #tpu.memory_space<vmem>> -> memref<1x128xi32, #tpu.memory_space<vmem>>
      %dma_wait3A_89 = tpu.memref_squeeze %dma_wait3A_88 : memref<1x128xi32, #tpu.memory_space<vmem>> -> memref<128xi32, #tpu.memory_space<vmem>>
      %dma_wait3A_90 = arith.constant 0 : i32
      %dma_wait3A_91 = arith.constant 0 : i32
      %dma_wait3A_92 = tpu.memref_slice %arg2[%dma_wait3A_90, %dma_wait3A_91] : memref<10000x128xf32, #tpu.memory_space<hbm>> -> memref<10000x128xf32, #tpu.memory_space<hbm>>
      tpu.wait_indirect_dma semaphore(%arg17 : memref<!tpu.dma_semaphore, #tpu.memory_space<semaphore_mem>>) src(%dma_wait3A_92 : memref<10000x128xf32, #tpu.memory_space<hbm>>) dst(%arg13 : memref<128x128xf32, #tpu.memory_space<vmem>>)
      %dma_wait3A_93 = arith.constant 0 : i32
      %dma_wait3A_94 = arith.constant 0 : i32
      %dma_wait3A_95 = tpu.memref_slice %arg12[%dma_wait3A_93, %dma_wait3A_94] : memref<1x128xi32, #tpu.memory_space<vmem>> -> memref<1x128xi32, #tpu.memory_space<vmem>>
      %dma_wait3A_96 = tpu.memref_squeeze %dma_wait3A_95 : memref<1x128xi32, #tpu.memory_space<vmem>> -> memref<128xi32, #tpu.memory_space<vmem>>
      %dma_wait3A_97 = arith.constant 0 : i32
      %dma_wait3A_98 = arith.constant 0 : i32
      %dma_wait3A_99 = tpu.memref_slice %arg2[%dma_wait3A_97, %dma_wait3A_98] : memref<10000x128xf32, #tpu.memory_space<hbm>> -> memref<10000x128xf32, #tpu.memory_space<hbm>>
      tpu.wait_indirect_dma semaphore(%arg17 : memref<!tpu.dma_semaphore, #tpu.memory_space<semaphore_mem>>) src(%dma_wait3A_99 : memref<10000x128xf32, #tpu.memory_space<hbm>>) dst(%arg15 : memref<128x128xf32, #tpu.memory_space<vmem>>)
      "tpu.region"() ({
        %run_scoped3A_100 = tpu.sem_alloc : memref<!tpu.dma_semaphore, #tpu.memory_space<semaphore_mem>>
        %dma_start3A_101 = arith.constant 0 : i32
        %dma_start3A_102 = tpu.memref_slice %arg7[%add3A_70, %dma_start3A_101] : memref<320000x128xf32, #tpu.memory_space<hbm>> -> memref<128x128xf32, #tpu.memory_space<hbm>>
        %dma_start3A_103 = arith.constant 0 : i32
        %dma_start3A_104 = tpu.memref_slice %arg7[%add3A_70, %dma_start3A_103] : memref<320000x128xf32, #tpu.memory_space<hbm>> -> memref<128x128xf32, #tpu.memory_space<hbm>>
        tpu.enqueue_dma source(%arg13 : memref<128x128xf32, #tpu.memory_space<vmem>>) target(%dma_start3A_104 : memref<128x128xf32, #tpu.memory_space<hbm>>) target_semaphore(%run_scoped3A_100 : memref<!tpu.dma_semaphore, #tpu.memory_space<semaphore_mem>>)
        %dma_wait3A_105 = arith.constant 0 : i32
        %dma_wait3A_106 = tpu.memref_slice %arg7[%add3A_70, %dma_wait3A_105] : memref<320000x128xf32, #tpu.memory_space<hbm>> -> memref<128x128xf32, #tpu.memory_space<hbm>>
        %dma_wait3A_107 = arith.constant 0 : i32
        %dma_wait3A_108 = tpu.memref_slice %arg7[%add3A_70, %dma_wait3A_107] : memref<320000x128xf32, #tpu.memory_space<hbm>> -> memref<128x128xf32, #tpu.memory_space<hbm>>
        tpu.wait_dma2 semaphore(%run_scoped3A_100 : memref<!tpu.dma_semaphore, #tpu.memory_space<semaphore_mem>>) src(%arg13 : memref<128x128xf32, #tpu.memory_space<vmem>>) dst(%dma_wait3A_108 : memref<128x128xf32, #tpu.memory_space<hbm>>)
        tpu.yield
      }) : () -> ()
      "tpu.region"() ({
        %run_scoped3A_100 = tpu.sem_alloc : memref<!tpu.dma_semaphore, #tpu.memory_space<semaphore_mem>>
        %dma_start3A_101 = arith.constant 0 : i32
        %dma_start3A_102 = tpu.memref_slice %arg8[%add3A_70, %dma_start3A_101] : memref<320000x128xf32, #tpu.memory_space<hbm>> -> memref<128x128xf32, #tpu.memory_space<hbm>>
        %dma_start3A_103 = arith.constant 0 : i32
        %dma_start3A_104 = tpu.memref_slice %arg8[%add3A_70, %dma_start3A_103] : memref<320000x128xf32, #tpu.memory_space<hbm>> -> memref<128x128xf32, #tpu.memory_space<hbm>>
        tpu.enqueue_dma source(%arg15 : memref<128x128xf32, #tpu.memory_space<vmem>>) target(%dma_start3A_104 : memref<128x128xf32, #tpu.memory_space<hbm>>) target_semaphore(%run_scoped3A_100 : memref<!tpu.dma_semaphore, #tpu.memory_space<semaphore_mem>>)
        %dma_wait3A_105 = arith.constant 0 : i32
        %dma_wait3A_106 = tpu.memref_slice %arg8[%add3A_70, %dma_wait3A_105] : memref<320000x128xf32, #tpu.memory_space<hbm>> -> memref<128x128xf32, #tpu.memory_space<hbm>>
        %dma_wait3A_107 = arith.constant 0 : i32
        %dma_wait3A_108 = tpu.memref_slice %arg8[%add3A_70, %dma_wait3A_107] : memref<320000x128xf32, #tpu.memory_space<hbm>> -> memref<128x128xf32, #tpu.memory_space<hbm>>
        tpu.wait_dma2 semaphore(%run_scoped3A_100 : memref<!tpu.dma_semaphore, #tpu.memory_space<semaphore_mem>>) src(%arg15 : memref<128x128xf32, #tpu.memory_space<vmem>>) dst(%dma_wait3A_108 : memref<128x128xf32, #tpu.memory_space<hbm>>)
        tpu.yield
      }) : () -> ()
    } else {
    }
    return
  }
}

#map = affine_map<(d0, d1) -> (0, 0)>
#map1 = affine_map<(d0, d1) -> (0, 0, 0)>
module attributes {stable_mosaic.version = 14 : i64} {
  func.func @_sc_scatter(%arg0: i32, %arg1: i32, %arg2: memref<320000x128xf32, #tpu.memory_space<hbm>>, %arg3: memref<32x78x128xi32, #tpu.memory_space<hbm>>, %arg4: memref<4x128xi32, #tpu.memory_space<hbm>>, %arg5: memref<10000x128xf32, #tpu.memory_space<hbm>>, %arg6: memref<2x10000x128xf32, #tpu.memory_space<hbm>>, %arg7: memref<78x128xi32, #tpu.memory_space<vmem>>, %arg8: memref<1x128xi32, #tpu.memory_space<vmem>>, %arg9: memref<128x128xf32, #tpu.memory_space<vmem>>, %arg10: memref<128x128xf32, #tpu.memory_space<vmem>>, %arg11: memref<10000x128xf32, #tpu.memory_space<vmem_shared>>, %arg12: memref<!tpu.dma_semaphore, #tpu.memory_space<semaphore_mem>>, %arg13: memref<!tpu.dma_semaphore, #tpu.memory_space<semaphore_mem>>, %arg14: memref<!tpu.dma_semaphore, #tpu.memory_space<semaphore_mem>>, %arg15: memref<!tpu.dma_semaphore, #tpu.memory_space<semaphore_mem>>) attributes {dimension_semantics = [#tpu.dimension_semantics<core_parallel>, #tpu.dimension_semantics<subcore_parallel>], iteration_bounds = array<i64: 2, 16>, scalar_prefetch = 0 : i64, scratch_operands = 9 : i64, tpu.core_type = #tpu.core_type<sc_vector_subcore>, window_params = [{transform_indices = #map}, {transform_indices = #map1}, {transform_indices = #map}, {transform_indices = #map}, {transform_indices = #map1}]} {
    %mul3A = arith.constant 2 : i32
    %mul3A_0 = arith.muli %arg1, %mul3A : i32
    %add3A = arith.addi %mul3A_0, %arg0 : i32
    %mul3A_1 = arith.constant 9984 : i32
    %mul3A_2 = arith.muli %add3A, %mul3A_1 : i32
    %mul3A_3 = arith.constant 624 : i32
    %mul3A_4 = arith.muli %arg1, %mul3A_3 : i32
    "tpu.region"() ({
      %run_scoped3A_44 = tpu.sem_alloc : memref<!tpu.dma_semaphore, #tpu.memory_space<semaphore_mem>>
      %dma_start3A_45 = arith.constant 0 : i32
      %dma_start3A_46 = tpu.memref_slice %arg11[%mul3A_4, %dma_start3A_45] : memref<10000x128xf32, #tpu.memory_space<vmem_shared>> -> memref<624x128xf32, #tpu.memory_space<vmem_shared>>
      %dma_start3A_47 = arith.constant 0 : i32
      %dma_start3A_48 = tpu.memref_slice %arg5[%mul3A_4, %dma_start3A_47] : memref<10000x128xf32, #tpu.memory_space<hbm>> -> memref<624x128xf32, #tpu.memory_space<hbm>>
      tpu.enqueue_dma source(%dma_start3A_48 : memref<624x128xf32, #tpu.memory_space<hbm>>) target(%dma_start3A_46 : memref<624x128xf32, #tpu.memory_space<vmem_shared>>) target_semaphore(%run_scoped3A_44 : memref<!tpu.dma_semaphore, #tpu.memory_space<semaphore_mem>>)
      %dma_wait3A_49 = arith.constant 0 : i32
      %dma_wait3A_50 = tpu.memref_slice %arg11[%mul3A_4, %dma_wait3A_49] : memref<10000x128xf32, #tpu.memory_space<vmem_shared>> -> memref<624x128xf32, #tpu.memory_space<vmem_shared>>
      %dma_wait3A_51 = arith.constant 0 : i32
      %dma_wait3A_52 = tpu.memref_slice %arg5[%mul3A_4, %dma_wait3A_51] : memref<10000x128xf32, #tpu.memory_space<hbm>> -> memref<624x128xf32, #tpu.memory_space<hbm>>
      tpu.wait_dma2 semaphore(%run_scoped3A_44 : memref<!tpu.dma_semaphore, #tpu.memory_space<semaphore_mem>>) src(%dma_wait3A_52 : memref<624x128xf32, #tpu.memory_space<hbm>>) dst(%dma_wait3A_50 : memref<624x128xf32, #tpu.memory_space<vmem_shared>>)
      tpu.yield
    }) : () -> ()
    %eq3A = arith.constant 0 : i32
    %eq3A_5 = arith.cmpi eq, %arg1, %eq3A : i32
    %convert_element_type3A = arith.extui %eq3A_5 : i1 to i32
    %cond3A = arith.constant 0 : i32
    %cond3A_6 = arith.cmpi ne, %convert_element_type3A, %cond3A : i32
    scf.if %cond3A_6 {
      "tpu.region"() ({
        %run_scoped3A_44 = tpu.sem_alloc : memref<!tpu.dma_semaphore, #tpu.memory_space<semaphore_mem>>
        %dma_start3A_45 = arith.constant 9984 : i32
        %dma_start3A_46 = arith.constant 0 : i32
        %dma_start3A_47 = tpu.memref_slice %arg11[%dma_start3A_45, %dma_start3A_46] : memref<10000x128xf32, #tpu.memory_space<vmem_shared>> -> memref<16x128xf32, #tpu.memory_space<vmem_shared>>
        %dma_start3A_48 = arith.constant 9984 : i32
        %dma_start3A_49 = arith.constant 0 : i32
        %dma_start3A_50 = tpu.memref_slice %arg5[%dma_start3A_48, %dma_start3A_49] : memref<10000x128xf32, #tpu.memory_space<hbm>> -> memref<16x128xf32, #tpu.memory_space<hbm>>
        tpu.enqueue_dma source(%dma_start3A_50 : memref<16x128xf32, #tpu.memory_space<hbm>>) target(%dma_start3A_47 : memref<16x128xf32, #tpu.memory_space<vmem_shared>>) target_semaphore(%run_scoped3A_44 : memref<!tpu.dma_semaphore, #tpu.memory_space<semaphore_mem>>)
        %dma_wait3A_51 = arith.constant 9984 : i32
        %dma_wait3A_52 = arith.constant 0 : i32
        %dma_wait3A_53 = tpu.memref_slice %arg11[%dma_wait3A_51, %dma_wait3A_52] : memref<10000x128xf32, #tpu.memory_space<vmem_shared>> -> memref<16x128xf32, #tpu.memory_space<vmem_shared>>
        %dma_wait3A_54 = arith.constant 9984 : i32
        %dma_wait3A_55 = arith.constant 0 : i32
        %dma_wait3A_56 = tpu.memref_slice %arg5[%dma_wait3A_54, %dma_wait3A_55] : memref<10000x128xf32, #tpu.memory_space<hbm>> -> memref<16x128xf32, #tpu.memory_space<hbm>>
        tpu.wait_dma2 semaphore(%run_scoped3A_44 : memref<!tpu.dma_semaphore, #tpu.memory_space<semaphore_mem>>) src(%dma_wait3A_56 : memref<16x128xf32, #tpu.memory_space<hbm>>) dst(%dma_wait3A_53 : memref<16x128xf32, #tpu.memory_space<vmem_shared>>)
        tpu.yield
      }) : () -> ()
    } else {
    }
    "tpu.region"() ({
      %run_scoped3A_44 = tpu.sem_alloc : memref<!tpu.dma_semaphore, #tpu.memory_space<semaphore_mem>>
      %dma_start3A_45 = arith.constant 0 : i32
      %dma_start3A_46 = arith.constant 0 : i32
      %dma_start3A_47 = tpu.memref_slice %arg3[%add3A, %dma_start3A_45, %dma_start3A_46] : memref<32x78x128xi32, #tpu.memory_space<hbm>> -> memref<1x78x128xi32, #tpu.memory_space<hbm>>
      %dma_start3A_48 = tpu.memref_squeeze %dma_start3A_47 : memref<1x78x128xi32, #tpu.memory_space<hbm>> -> memref<78x128xi32, #tpu.memory_space<hbm>>
      %dma_start3A_49 = arith.constant 0 : i32
      %dma_start3A_50 = arith.constant 0 : i32
      %dma_start3A_51 = tpu.memref_slice %arg3[%add3A, %dma_start3A_49, %dma_start3A_50] : memref<32x78x128xi32, #tpu.memory_space<hbm>> -> memref<1x78x128xi32, #tpu.memory_space<hbm>>
      %dma_start3A_52 = tpu.memref_squeeze %dma_start3A_51 : memref<1x78x128xi32, #tpu.memory_space<hbm>> -> memref<78x128xi32, #tpu.memory_space<hbm>>
      tpu.enqueue_dma source(%dma_start3A_52 : memref<78x128xi32, #tpu.memory_space<hbm>>) target(%arg7 : memref<78x128xi32, #tpu.memory_space<vmem>>) target_semaphore(%run_scoped3A_44 : memref<!tpu.dma_semaphore, #tpu.memory_space<semaphore_mem>>)
      %dma_wait3A_53 = arith.constant 0 : i32
      %dma_wait3A_54 = arith.constant 0 : i32
      %dma_wait3A_55 = tpu.memref_slice %arg3[%add3A, %dma_wait3A_53, %dma_wait3A_54] : memref<32x78x128xi32, #tpu.memory_space<hbm>> -> memref<1x78x128xi32, #tpu.memory_space<hbm>>
      %dma_wait3A_56 = tpu.memref_squeeze %dma_wait3A_55 : memref<1x78x128xi32, #tpu.memory_space<hbm>> -> memref<78x128xi32, #tpu.memory_space<hbm>>
      %dma_wait3A_57 = arith.constant 0 : i32
      %dma_wait3A_58 = arith.constant 0 : i32
      %dma_wait3A_59 = tpu.memref_slice %arg3[%add3A, %dma_wait3A_57, %dma_wait3A_58] : memref<32x78x128xi32, #tpu.memory_space<hbm>> -> memref<1x78x128xi32, #tpu.memory_space<hbm>>
      %dma_wait3A_60 = tpu.memref_squeeze %dma_wait3A_59 : memref<1x78x128xi32, #tpu.memory_space<hbm>> -> memref<78x128xi32, #tpu.memory_space<hbm>>
      tpu.wait_dma2 semaphore(%run_scoped3A_44 : memref<!tpu.dma_semaphore, #tpu.memory_space<semaphore_mem>>) src(%dma_wait3A_60 : memref<78x128xi32, #tpu.memory_space<hbm>>) dst(%arg7 : memref<78x128xi32, #tpu.memory_space<vmem>>)
      tpu.yield
    }) : () -> ()
    %barrier3A = arith.constant 0 : index
    tpu.barrier barrier_id(%barrier3A)
    %add3A_7 = arith.constant 0 : i32
    %add3A_8 = arith.addi %mul3A_2, %add3A_7 : i32
    %dma_start3A = arith.constant 0 : i32
    %dma_start3A_9 = tpu.memref_slice %arg2[%add3A_8, %dma_start3A] : memref<320000x128xf32, #tpu.memory_space<hbm>> -> memref<128x128xf32, #tpu.memory_space<hbm>>
    %dma_start3A_10 = arith.constant 0 : i32
    %dma_start3A_11 = tpu.memref_slice %arg2[%add3A_8, %dma_start3A_10] : memref<320000x128xf32, #tpu.memory_space<hbm>> -> memref<128x128xf32, #tpu.memory_space<hbm>>
    tpu.enqueue_dma source(%dma_start3A_11 : memref<128x128xf32, #tpu.memory_space<hbm>>) target(%arg9 : memref<128x128xf32, #tpu.memory_space<vmem>>) target_semaphore(%arg12 : memref<!tpu.dma_semaphore, #tpu.memory_space<semaphore_mem>>)
    %add3A_12 = arith.constant 128 : i32
    %add3A_13 = arith.addi %mul3A_2, %add3A_12 : i32
    %dma_start3A_14 = arith.constant 0 : i32
    %dma_start3A_15 = tpu.memref_slice %arg2[%add3A_13, %dma_start3A_14] : memref<320000x128xf32, #tpu.memory_space<hbm>> -> memref<128x128xf32, #tpu.memory_space<hbm>>
    %dma_start3A_16 = arith.constant 0 : i32
    %dma_start3A_17 = tpu.memref_slice %arg2[%add3A_13, %dma_start3A_16] : memref<320000x128xf32, #tpu.memory_space<hbm>> -> memref<128x128xf32, #tpu.memory_space<hbm>>
    tpu.enqueue_dma source(%dma_start3A_17 : memref<128x128xf32, #tpu.memory_space<hbm>>) target(%arg10 : memref<128x128xf32, #tpu.memory_space<vmem>>) target_semaphore(%arg13 : memref<!tpu.dma_semaphore, #tpu.memory_space<semaphore_mem>>)
    %scan3A = arith.constant 0 : i32
    %scan3A_18 = arith.constant 38 : i32
    %scan3A_19 = arith.addi %scan3A, %scan3A_18 : i32
    %scan3A_20 = arith.constant 1 : i32
    scf.for %scan3A_44 = %scan3A to %scan3A_19 step %scan3A_20  : i32 {
      %mul3A_45 = arith.constant 1 : i32
      %mul3A_46 = arith.muli %scan3A_44, %mul3A_45 : i32
      %add3A_47 = arith.constant 0 : i32
      %add3A_48 = arith.addi %add3A_47, %mul3A_46 : i32
      %mul3A_49 = arith.constant 2 : i32
      %mul3A_50 = arith.muli %mul3A_49, %add3A_48 : i32
      %add3A_51 = arith.constant 0 : i32
      %add3A_52 = arith.addi %mul3A_50, %add3A_51 : i32
      %mul3A_53 = arith.constant 128 : i32
      %mul3A_54 = arith.muli %add3A_52, %mul3A_53 : i32
      %add3A_55 = arith.addi %mul3A_2, %mul3A_54 : i32
      %dma_wait3A_56 = arith.constant 0 : i32
      %dma_wait3A_57 = tpu.memref_slice %arg2[%add3A_55, %dma_wait3A_56] : memref<320000x128xf32, #tpu.memory_space<hbm>> -> memref<128x128xf32, #tpu.memory_space<hbm>>
      %dma_wait3A_58 = arith.constant 0 : i32
      %dma_wait3A_59 = tpu.memref_slice %arg2[%add3A_55, %dma_wait3A_58] : memref<320000x128xf32, #tpu.memory_space<hbm>> -> memref<128x128xf32, #tpu.memory_space<hbm>>
      tpu.wait_dma2 semaphore(%arg12 : memref<!tpu.dma_semaphore, #tpu.memory_space<semaphore_mem>>) src(%dma_wait3A_59 : memref<128x128xf32, #tpu.memory_space<hbm>>) dst(%arg9 : memref<128x128xf32, #tpu.memory_space<vmem>>)
      %dma_start3A_60 = arith.constant 0 : i32
      %dma_start3A_61 = tpu.memref_slice %arg7[%add3A_52, %dma_start3A_60] : memref<78x128xi32, #tpu.memory_space<vmem>> -> memref<1x128xi32, #tpu.memory_space<vmem>>
      %dma_start3A_62 = tpu.memref_squeeze %dma_start3A_61 : memref<1x128xi32, #tpu.memory_space<vmem>> -> memref<128xi32, #tpu.memory_space<vmem>>
      %dma_start3A_63 = arith.constant 0 : i32
      %dma_start3A_64 = arith.constant 0 : i32
      %dma_start3A_65 = tpu.memref_slice %arg11[%dma_start3A_63, %dma_start3A_64] : memref<10000x128xf32, #tpu.memory_space<vmem_shared>> -> memref<10000x128xf32, #tpu.memory_space<vmem_shared>>
      tpu.enqueue_indirect_dma source(%arg9 : memref<128x128xf32, #tpu.memory_space<vmem>>) target(%dma_start3A_65 : memref<10000x128xf32, #tpu.memory_space<vmem_shared>>) offsets(%dma_start3A_62 : memref<128xi32, #tpu.memory_space<vmem>>) semaphore(%arg14 : memref<!tpu.dma_semaphore, #tpu.memory_space<semaphore_mem>>) {add = true}
      %dma_wait3A_66 = arith.constant 0 : i32
      %dma_wait3A_67 = tpu.memref_slice %arg7[%add3A_52, %dma_wait3A_66] : memref<78x128xi32, #tpu.memory_space<vmem>> -> memref<1x128xi32, #tpu.memory_space<vmem>>
      %dma_wait3A_68 = tpu.memref_squeeze %dma_wait3A_67 : memref<1x128xi32, #tpu.memory_space<vmem>> -> memref<128xi32, #tpu.memory_space<vmem>>
      %dma_wait3A_69 = arith.constant 0 : i32
      %dma_wait3A_70 = arith.constant 0 : i32
      %dma_wait3A_71 = tpu.memref_slice %arg11[%dma_wait3A_69, %dma_wait3A_70] : memref<10000x128xf32, #tpu.memory_space<vmem_shared>> -> memref<10000x128xf32, #tpu.memory_space<vmem_shared>>
      tpu.wait_indirect_dma semaphore(%arg14 : memref<!tpu.dma_semaphore, #tpu.memory_space<semaphore_mem>>) src(%arg9 : memref<128x128xf32, #tpu.memory_space<vmem>>) dst(%dma_wait3A_71 : memref<10000x128xf32, #tpu.memory_space<vmem_shared>>)
      %add3A_72 = arith.constant 2 : i32
      %add3A_73 = arith.addi %add3A_52, %add3A_72 : i32
      %mul3A_74 = arith.constant 128 : i32
      %mul3A_75 = arith.muli %add3A_73, %mul3A_74 : i32
      %add3A_76 = arith.addi %mul3A_2, %mul3A_75 : i32
      %dma_start3A_77 = arith.constant 0 : i32
      %dma_start3A_78 = tpu.memref_slice %arg2[%add3A_76, %dma_start3A_77] : memref<320000x128xf32, #tpu.memory_space<hbm>> -> memref<128x128xf32, #tpu.memory_space<hbm>>
      %dma_start3A_79 = arith.constant 0 : i32
      %dma_start3A_80 = tpu.memref_slice %arg2[%add3A_76, %dma_start3A_79] : memref<320000x128xf32, #tpu.memory_space<hbm>> -> memref<128x128xf32, #tpu.memory_space<hbm>>
      tpu.enqueue_dma source(%dma_start3A_80 : memref<128x128xf32, #tpu.memory_space<hbm>>) target(%arg9 : memref<128x128xf32, #tpu.memory_space<vmem>>) target_semaphore(%arg12 : memref<!tpu.dma_semaphore, #tpu.memory_space<semaphore_mem>>)
      %mul3A_81 = arith.constant 2 : i32
      %mul3A_82 = arith.muli %mul3A_81, %add3A_48 : i32
      %add3A_83 = arith.constant 1 : i32
      %add3A_84 = arith.addi %mul3A_82, %add3A_83 : i32
      %mul3A_85 = arith.constant 128 : i32
      %mul3A_86 = arith.muli %add3A_84, %mul3A_85 : i32
      %add3A_87 = arith.addi %mul3A_2, %mul3A_86 : i32
      %dma_wait3A_88 = arith.constant 0 : i32
      %dma_wait3A_89 = tpu.memref_slice %arg2[%add3A_87, %dma_wait3A_88] : memref<320000x128xf32, #tpu.memory_space<hbm>> -> memref<128x128xf32, #tpu.memory_space<hbm>>
      %dma_wait3A_90 = arith.constant 0 : i32
      %dma_wait3A_91 = tpu.memref_slice %arg2[%add3A_87, %dma_wait3A_90] : memref<320000x128xf32, #tpu.memory_space<hbm>> -> memref<128x128xf32, #tpu.memory_space<hbm>>
      tpu.wait_dma2 semaphore(%arg13 : memref<!tpu.dma_semaphore, #tpu.memory_space<semaphore_mem>>) src(%dma_wait3A_91 : memref<128x128xf32, #tpu.memory_space<hbm>>) dst(%arg10 : memref<128x128xf32, #tpu.memory_space<vmem>>)
      %dma_start3A_92 = arith.constant 0 : i32
      %dma_start3A_93 = tpu.memref_slice %arg7[%add3A_84, %dma_start3A_92] : memref<78x128xi32, #tpu.memory_space<vmem>> -> memref<1x128xi32, #tpu.memory_space<vmem>>
      %dma_start3A_94 = tpu.memref_squeeze %dma_start3A_93 : memref<1x128xi32, #tpu.memory_space<vmem>> -> memref<128xi32, #tpu.memory_space<vmem>>
      %dma_start3A_95 = arith.constant 0 : i32
      %dma_start3A_96 = arith.constant 0 : i32
      %dma_start3A_97 = tpu.memref_slice %arg11[%dma_start3A_95, %dma_start3A_96] : memref<10000x128xf32, #tpu.memory_space<vmem_shared>> -> memref<10000x128xf32, #tpu.memory_space<vmem_shared>>
      tpu.enqueue_indirect_dma source(%arg10 : memref<128x128xf32, #tpu.memory_space<vmem>>) target(%dma_start3A_97 : memref<10000x128xf32, #tpu.memory_space<vmem_shared>>) offsets(%dma_start3A_94 : memref<128xi32, #tpu.memory_space<vmem>>) semaphore(%arg15 : memref<!tpu.dma_semaphore, #tpu.memory_space<semaphore_mem>>) {add = true}
      %dma_wait3A_98 = arith.constant 0 : i32
      %dma_wait3A_99 = tpu.memref_slice %arg7[%add3A_84, %dma_wait3A_98] : memref<78x128xi32, #tpu.memory_space<vmem>> -> memref<1x128xi32, #tpu.memory_space<vmem>>
      %dma_wait3A_100 = tpu.memref_squeeze %dma_wait3A_99 : memref<1x128xi32, #tpu.memory_space<vmem>> -> memref<128xi32, #tpu.memory_space<vmem>>
      %dma_wait3A_101 = arith.constant 0 : i32
      %dma_wait3A_102 = arith.constant 0 : i32
      %dma_wait3A_103 = tpu.memref_slice %arg11[%dma_wait3A_101, %dma_wait3A_102] : memref<10000x128xf32, #tpu.memory_space<vmem_shared>> -> memref<10000x128xf32, #tpu.memory_space<vmem_shared>>
      tpu.wait_indirect_dma semaphore(%arg15 : memref<!tpu.dma_semaphore, #tpu.memory_space<semaphore_mem>>) src(%arg10 : memref<128x128xf32, #tpu.memory_space<vmem>>) dst(%dma_wait3A_103 : memref<10000x128xf32, #tpu.memory_space<vmem_shared>>)
      %add3A_104 = arith.constant 2 : i32
      %add3A_105 = arith.addi %add3A_84, %add3A_104 : i32
      %mul3A_106 = arith.constant 128 : i32
      %mul3A_107 = arith.muli %add3A_105, %mul3A_106 : i32
      %add3A_108 = arith.addi %mul3A_2, %mul3A_107 : i32
      %dma_start3A_109 = arith.constant 0 : i32
      %dma_start3A_110 = tpu.memref_slice %arg2[%add3A_108, %dma_start3A_109] : memref<320000x128xf32, #tpu.memory_space<hbm>> -> memref<128x128xf32, #tpu.memory_space<hbm>>
      %dma_start3A_111 = arith.constant 0 : i32
      %dma_start3A_112 = tpu.memref_slice %arg2[%add3A_108, %dma_start3A_111] : memref<320000x128xf32, #tpu.memory_space<hbm>> -> memref<128x128xf32, #tpu.memory_space<hbm>>
      tpu.enqueue_dma source(%dma_start3A_112 : memref<128x128xf32, #tpu.memory_space<hbm>>) target(%arg10 : memref<128x128xf32, #tpu.memory_space<vmem>>) target_semaphore(%arg13 : memref<!tpu.dma_semaphore, #tpu.memory_space<semaphore_mem>>)
    }
    %scan3A_21 = arith.constant 38 : i32
    %add3A_22 = arith.constant 9728 : i32
    %add3A_23 = arith.addi %mul3A_2, %add3A_22 : i32
    %dma_wait3A = arith.constant 0 : i32
    %dma_wait3A_24 = tpu.memref_slice %arg2[%add3A_23, %dma_wait3A] : memref<320000x128xf32, #tpu.memory_space<hbm>> -> memref<128x128xf32, #tpu.memory_space<hbm>>
    %dma_wait3A_25 = arith.constant 0 : i32
    %dma_wait3A_26 = tpu.memref_slice %arg2[%add3A_23, %dma_wait3A_25] : memref<320000x128xf32, #tpu.memory_space<hbm>> -> memref<128x128xf32, #tpu.memory_space<hbm>>
    tpu.wait_dma2 semaphore(%arg12 : memref<!tpu.dma_semaphore, #tpu.memory_space<semaphore_mem>>) src(%dma_wait3A_26 : memref<128x128xf32, #tpu.memory_space<hbm>>) dst(%arg9 : memref<128x128xf32, #tpu.memory_space<vmem>>)
    %run_scoped3A = arith.constant 76 : i32
    "tpu.region"() ({
      %run_scoped3A_44 = tpu.sem_alloc : memref<!tpu.dma_semaphore, #tpu.memory_space<semaphore_mem>>
      %dma_start3A_45 = arith.constant 0 : i32
      %dma_start3A_46 = tpu.memref_slice %arg7[%run_scoped3A, %dma_start3A_45] : memref<78x128xi32, #tpu.memory_space<vmem>> -> memref<1x128xi32, #tpu.memory_space<vmem>>
      %dma_start3A_47 = tpu.memref_squeeze %dma_start3A_46 : memref<1x128xi32, #tpu.memory_space<vmem>> -> memref<128xi32, #tpu.memory_space<vmem>>
      %dma_start3A_48 = arith.constant 0 : i32
      %dma_start3A_49 = arith.constant 0 : i32
      %dma_start3A_50 = tpu.memref_slice %arg11[%dma_start3A_48, %dma_start3A_49] : memref<10000x128xf32, #tpu.memory_space<vmem_shared>> -> memref<10000x128xf32, #tpu.memory_space<vmem_shared>>
      tpu.enqueue_indirect_dma source(%arg9 : memref<128x128xf32, #tpu.memory_space<vmem>>) target(%dma_start3A_50 : memref<10000x128xf32, #tpu.memory_space<vmem_shared>>) offsets(%dma_start3A_47 : memref<128xi32, #tpu.memory_space<vmem>>) semaphore(%run_scoped3A_44 : memref<!tpu.dma_semaphore, #tpu.memory_space<semaphore_mem>>) {add = true}
      %dma_wait3A_51 = arith.constant 0 : i32
      %dma_wait3A_52 = tpu.memref_slice %arg7[%run_scoped3A, %dma_wait3A_51] : memref<78x128xi32, #tpu.memory_space<vmem>> -> memref<1x128xi32, #tpu.memory_space<vmem>>
      %dma_wait3A_53 = tpu.memref_squeeze %dma_wait3A_52 : memref<1x128xi32, #tpu.memory_space<vmem>> -> memref<128xi32, #tpu.memory_space<vmem>>
      %dma_wait3A_54 = arith.constant 0 : i32
      %dma_wait3A_55 = arith.constant 0 : i32
      %dma_wait3A_56 = tpu.memref_slice %arg11[%dma_wait3A_54, %dma_wait3A_55] : memref<10000x128xf32, #tpu.memory_space<vmem_shared>> -> memref<10000x128xf32, #tpu.memory_space<vmem_shared>>
      tpu.wait_indirect_dma semaphore(%run_scoped3A_44 : memref<!tpu.dma_semaphore, #tpu.memory_space<semaphore_mem>>) src(%arg9 : memref<128x128xf32, #tpu.memory_space<vmem>>) dst(%dma_wait3A_56 : memref<10000x128xf32, #tpu.memory_space<vmem_shared>>)
      tpu.yield
    }) : () -> ()
    %add3A_27 = arith.constant 9856 : i32
    %add3A_28 = arith.addi %mul3A_2, %add3A_27 : i32
    %dma_wait3A_29 = arith.constant 0 : i32
    %dma_wait3A_30 = tpu.memref_slice %arg2[%add3A_28, %dma_wait3A_29] : memref<320000x128xf32, #tpu.memory_space<hbm>> -> memref<128x128xf32, #tpu.memory_space<hbm>>
    %dma_wait3A_31 = arith.constant 0 : i32
    %dma_wait3A_32 = tpu.memref_slice %arg2[%add3A_28, %dma_wait3A_31] : memref<320000x128xf32, #tpu.memory_space<hbm>> -> memref<128x128xf32, #tpu.memory_space<hbm>>
    tpu.wait_dma2 semaphore(%arg13 : memref<!tpu.dma_semaphore, #tpu.memory_space<semaphore_mem>>) src(%dma_wait3A_32 : memref<128x128xf32, #tpu.memory_space<hbm>>) dst(%arg10 : memref<128x128xf32, #tpu.memory_space<vmem>>)
    %run_scoped3A_33 = arith.constant 77 : i32
    "tpu.region"() ({
      %run_scoped3A_44 = tpu.sem_alloc : memref<!tpu.dma_semaphore, #tpu.memory_space<semaphore_mem>>
      %dma_start3A_45 = arith.constant 0 : i32
      %dma_start3A_46 = tpu.memref_slice %arg7[%run_scoped3A_33, %dma_start3A_45] : memref<78x128xi32, #tpu.memory_space<vmem>> -> memref<1x128xi32, #tpu.memory_space<vmem>>
      %dma_start3A_47 = tpu.memref_squeeze %dma_start3A_46 : memref<1x128xi32, #tpu.memory_space<vmem>> -> memref<128xi32, #tpu.memory_space<vmem>>
      %dma_start3A_48 = arith.constant 0 : i32
      %dma_start3A_49 = arith.constant 0 : i32
      %dma_start3A_50 = tpu.memref_slice %arg11[%dma_start3A_48, %dma_start3A_49] : memref<10000x128xf32, #tpu.memory_space<vmem_shared>> -> memref<10000x128xf32, #tpu.memory_space<vmem_shared>>
      tpu.enqueue_indirect_dma source(%arg10 : memref<128x128xf32, #tpu.memory_space<vmem>>) target(%dma_start3A_50 : memref<10000x128xf32, #tpu.memory_space<vmem_shared>>) offsets(%dma_start3A_47 : memref<128xi32, #tpu.memory_space<vmem>>) semaphore(%run_scoped3A_44 : memref<!tpu.dma_semaphore, #tpu.memory_space<semaphore_mem>>) {add = true}
      %dma_wait3A_51 = arith.constant 0 : i32
      %dma_wait3A_52 = tpu.memref_slice %arg7[%run_scoped3A_33, %dma_wait3A_51] : memref<78x128xi32, #tpu.memory_space<vmem>> -> memref<1x128xi32, #tpu.memory_space<vmem>>
      %dma_wait3A_53 = tpu.memref_squeeze %dma_wait3A_52 : memref<1x128xi32, #tpu.memory_space<vmem>> -> memref<128xi32, #tpu.memory_space<vmem>>
      %dma_wait3A_54 = arith.constant 0 : i32
      %dma_wait3A_55 = arith.constant 0 : i32
      %dma_wait3A_56 = tpu.memref_slice %arg11[%dma_wait3A_54, %dma_wait3A_55] : memref<10000x128xf32, #tpu.memory_space<vmem_shared>> -> memref<10000x128xf32, #tpu.memory_space<vmem_shared>>
      tpu.wait_indirect_dma semaphore(%run_scoped3A_44 : memref<!tpu.dma_semaphore, #tpu.memory_space<semaphore_mem>>) src(%arg10 : memref<128x128xf32, #tpu.memory_space<vmem>>) dst(%dma_wait3A_56 : memref<10000x128xf32, #tpu.memory_space<vmem_shared>>)
      tpu.yield
    }) : () -> ()
    %lt3A = arith.constant 4 : i32
    %lt3A_34 = arith.cmpi slt, %add3A, %lt3A : i32
    %convert_element_type3A_35 = arith.extui %lt3A_34 : i1 to i32
    %cond3A_36 = arith.constant 0 : i32
    %cond3A_37 = arith.cmpi ne, %convert_element_type3A_35, %cond3A_36 : i32
    scf.if %cond3A_37 {
      %mul3A_44 = arith.constant 128 : i32
      %mul3A_45 = arith.muli %add3A, %mul3A_44 : i32
      %add3A_46 = arith.constant 319488 : i32
      %add3A_47 = arith.addi %add3A_46, %mul3A_45 : i32
      %run_scoped3A_48 = arith.constant 0 : i32
      "tpu.region"() ({
        %run_scoped3A_50 = tpu.sem_alloc : memref<!tpu.dma_semaphore, #tpu.memory_space<semaphore_mem>>
        %dma_start3A_51 = arith.constant 0 : i32
        %dma_start3A_52 = tpu.memref_slice %arg8[%run_scoped3A_48, %dma_start3A_51] : memref<1x128xi32, #tpu.memory_space<vmem>> -> memref<1x128xi32, #tpu.memory_space<vmem>>
        %dma_start3A_53 = tpu.memref_squeeze %dma_start3A_52 : memref<1x128xi32, #tpu.memory_space<vmem>> -> memref<128xi32, #tpu.memory_space<vmem>>
        %dma_start3A_54 = arith.constant 0 : i32
        %dma_start3A_55 = tpu.memref_slice %arg4[%add3A, %dma_start3A_54] : memref<4x128xi32, #tpu.memory_space<hbm>> -> memref<1x128xi32, #tpu.memory_space<hbm>>
        %dma_start3A_56 = tpu.memref_squeeze %dma_start3A_55 : memref<1x128xi32, #tpu.memory_space<hbm>> -> memref<128xi32, #tpu.memory_space<hbm>>
        %dma_start3A_57 = arith.constant 0 : i32
        %dma_start3A_58 = tpu.memref_slice %arg8[%run_scoped3A_48, %dma_start3A_57] : memref<1x128xi32, #tpu.memory_space<vmem>> -> memref<1x128xi32, #tpu.memory_space<vmem>>
        %dma_start3A_59 = tpu.memref_squeeze %dma_start3A_58 : memref<1x128xi32, #tpu.memory_space<vmem>> -> memref<128xi32, #tpu.memory_space<vmem>>
        %dma_start3A_60 = arith.constant 0 : i32
        %dma_start3A_61 = tpu.memref_slice %arg4[%add3A, %dma_start3A_60] : memref<4x128xi32, #tpu.memory_space<hbm>> -> memref<1x128xi32, #tpu.memory_space<hbm>>
        %dma_start3A_62 = tpu.memref_squeeze %dma_start3A_61 : memref<1x128xi32, #tpu.memory_space<hbm>> -> memref<128xi32, #tpu.memory_space<hbm>>
        tpu.enqueue_dma source(%dma_start3A_62 : memref<128xi32, #tpu.memory_space<hbm>>) target(%dma_start3A_59 : memref<128xi32, #tpu.memory_space<vmem>>) target_semaphore(%run_scoped3A_50 : memref<!tpu.dma_semaphore, #tpu.memory_space<semaphore_mem>>)
        %dma_wait3A_63 = arith.constant 0 : i32
        %dma_wait3A_64 = tpu.memref_slice %arg8[%run_scoped3A_48, %dma_wait3A_63] : memref<1x128xi32, #tpu.memory_space<vmem>> -> memref<1x128xi32, #tpu.memory_space<vmem>>
        %dma_wait3A_65 = tpu.memref_squeeze %dma_wait3A_64 : memref<1x128xi32, #tpu.memory_space<vmem>> -> memref<128xi32, #tpu.memory_space<vmem>>
        %dma_wait3A_66 = arith.constant 0 : i32
        %dma_wait3A_67 = tpu.memref_slice %arg4[%add3A, %dma_wait3A_66] : memref<4x128xi32, #tpu.memory_space<hbm>> -> memref<1x128xi32, #tpu.memory_space<hbm>>
        %dma_wait3A_68 = tpu.memref_squeeze %dma_wait3A_67 : memref<1x128xi32, #tpu.memory_space<hbm>> -> memref<128xi32, #tpu.memory_space<hbm>>
        %dma_wait3A_69 = arith.constant 0 : i32
        %dma_wait3A_70 = tpu.memref_slice %arg8[%run_scoped3A_48, %dma_wait3A_69] : memref<1x128xi32, #tpu.memory_space<vmem>> -> memref<1x128xi32, #tpu.memory_space<vmem>>
        %dma_wait3A_71 = tpu.memref_squeeze %dma_wait3A_70 : memref<1x128xi32, #tpu.memory_space<vmem>> -> memref<128xi32, #tpu.memory_space<vmem>>
        %dma_wait3A_72 = arith.constant 0 : i32
        %dma_wait3A_73 = tpu.memref_slice %arg4[%add3A, %dma_wait3A_72] : memref<4x128xi32, #tpu.memory_space<hbm>> -> memref<1x128xi32, #tpu.memory_space<hbm>>
        %dma_wait3A_74 = tpu.memref_squeeze %dma_wait3A_73 : memref<1x128xi32, #tpu.memory_space<hbm>> -> memref<128xi32, #tpu.memory_space<hbm>>
        tpu.wait_dma2 semaphore(%run_scoped3A_50 : memref<!tpu.dma_semaphore, #tpu.memory_space<semaphore_mem>>) src(%dma_wait3A_74 : memref<128xi32, #tpu.memory_space<hbm>>) dst(%dma_wait3A_71 : memref<128xi32, #tpu.memory_space<vmem>>)
        tpu.yield
      }) : () -> ()
      "tpu.region"() ({
        %run_scoped3A_50 = tpu.sem_alloc : memref<!tpu.dma_semaphore, #tpu.memory_space<semaphore_mem>>
        %dma_start3A_51 = arith.constant 0 : i32
        %dma_start3A_52 = tpu.memref_slice %arg2[%add3A_47, %dma_start3A_51] : memref<320000x128xf32, #tpu.memory_space<hbm>> -> memref<128x128xf32, #tpu.memory_space<hbm>>
        %dma_start3A_53 = arith.constant 0 : i32
        %dma_start3A_54 = tpu.memref_slice %arg2[%add3A_47, %dma_start3A_53] : memref<320000x128xf32, #tpu.memory_space<hbm>> -> memref<128x128xf32, #tpu.memory_space<hbm>>
        tpu.enqueue_dma source(%dma_start3A_54 : memref<128x128xf32, #tpu.memory_space<hbm>>) target(%arg9 : memref<128x128xf32, #tpu.memory_space<vmem>>) target_semaphore(%run_scoped3A_50 : memref<!tpu.dma_semaphore, #tpu.memory_space<semaphore_mem>>)
        %dma_wait3A_55 = arith.constant 0 : i32
        %dma_wait3A_56 = tpu.memref_slice %arg2[%add3A_47, %dma_wait3A_55] : memref<320000x128xf32, #tpu.memory_space<hbm>> -> memref<128x128xf32, #tpu.memory_space<hbm>>
        %dma_wait3A_57 = arith.constant 0 : i32
        %dma_wait3A_58 = tpu.memref_slice %arg2[%add3A_47, %dma_wait3A_57] : memref<320000x128xf32, #tpu.memory_space<hbm>> -> memref<128x128xf32, #tpu.memory_space<hbm>>
        tpu.wait_dma2 semaphore(%run_scoped3A_50 : memref<!tpu.dma_semaphore, #tpu.memory_space<semaphore_mem>>) src(%dma_wait3A_58 : memref<128x128xf32, #tpu.memory_space<hbm>>) dst(%arg9 : memref<128x128xf32, #tpu.memory_space<vmem>>)
        tpu.yield
      }) : () -> ()
      %run_scoped3A_49 = arith.constant 0 : i32
      "tpu.region"() ({
        %run_scoped3A_50 = tpu.sem_alloc : memref<!tpu.dma_semaphore, #tpu.memory_space<semaphore_mem>>
        %dma_start3A_51 = arith.constant 0 : i32
        %dma_start3A_52 = tpu.memref_slice %arg8[%run_scoped3A_49, %dma_start3A_51] : memref<1x128xi32, #tpu.memory_space<vmem>> -> memref<1x128xi32, #tpu.memory_space<vmem>>
        %dma_start3A_53 = tpu.memref_squeeze %dma_start3A_52 : memref<1x128xi32, #tpu.memory_space<vmem>> -> memref<128xi32, #tpu.memory_space<vmem>>
        %dma_start3A_54 = arith.constant 0 : i32
        %dma_start3A_55 = arith.constant 0 : i32
        %dma_start3A_56 = tpu.memref_slice %arg11[%dma_start3A_54, %dma_start3A_55] : memref<10000x128xf32, #tpu.memory_space<vmem_shared>> -> memref<10000x128xf32, #tpu.memory_space<vmem_shared>>
        tpu.enqueue_indirect_dma source(%arg9 : memref<128x128xf32, #tpu.memory_space<vmem>>) target(%dma_start3A_56 : memref<10000x128xf32, #tpu.memory_space<vmem_shared>>) offsets(%dma_start3A_53 : memref<128xi32, #tpu.memory_space<vmem>>) semaphore(%run_scoped3A_50 : memref<!tpu.dma_semaphore, #tpu.memory_space<semaphore_mem>>) {add = true}
        %dma_wait3A_57 = arith.constant 0 : i32
        %dma_wait3A_58 = tpu.memref_slice %arg8[%run_scoped3A_49, %dma_wait3A_57] : memref<1x128xi32, #tpu.memory_space<vmem>> -> memref<1x128xi32, #tpu.memory_space<vmem>>
        %dma_wait3A_59 = tpu.memref_squeeze %dma_wait3A_58 : memref<1x128xi32, #tpu.memory_space<vmem>> -> memref<128xi32, #tpu.memory_space<vmem>>
        %dma_wait3A_60 = arith.constant 0 : i32
        %dma_wait3A_61 = arith.constant 0 : i32
        %dma_wait3A_62 = tpu.memref_slice %arg11[%dma_wait3A_60, %dma_wait3A_61] : memref<10000x128xf32, #tpu.memory_space<vmem_shared>> -> memref<10000x128xf32, #tpu.memory_space<vmem_shared>>
        tpu.wait_indirect_dma semaphore(%run_scoped3A_50 : memref<!tpu.dma_semaphore, #tpu.memory_space<semaphore_mem>>) src(%arg9 : memref<128x128xf32, #tpu.memory_space<vmem>>) dst(%dma_wait3A_62 : memref<10000x128xf32, #tpu.memory_space<vmem_shared>>)
        tpu.yield
      }) : () -> ()
    } else {
    }
    %barrier3A_38 = arith.constant 0 : index
    tpu.barrier barrier_id(%barrier3A_38)
    "tpu.region"() ({
      %run_scoped3A_44 = tpu.sem_alloc : memref<!tpu.dma_semaphore, #tpu.memory_space<semaphore_mem>>
      %dma_start3A_45 = arith.constant 0 : i32
      %dma_start3A_46 = tpu.memref_slice %arg6[%arg0, %mul3A_4, %dma_start3A_45] : memref<2x10000x128xf32, #tpu.memory_space<hbm>> -> memref<1x624x128xf32, #tpu.memory_space<hbm>>
      %dma_start3A_47 = tpu.memref_squeeze %dma_start3A_46 : memref<1x624x128xf32, #tpu.memory_space<hbm>> -> memref<624x128xf32, #tpu.memory_space<hbm>>
      %dma_start3A_48 = arith.constant 0 : i32
      %dma_start3A_49 = tpu.memref_slice %arg11[%mul3A_4, %dma_start3A_48] : memref<10000x128xf32, #tpu.memory_space<vmem_shared>> -> memref<624x128xf32, #tpu.memory_space<vmem_shared>>
      tpu.enqueue_dma source(%dma_start3A_49 : memref<624x128xf32, #tpu.memory_space<vmem_shared>>) target(%dma_start3A_47 : memref<624x128xf32, #tpu.memory_space<hbm>>) target_semaphore(%run_scoped3A_44 : memref<!tpu.dma_semaphore, #tpu.memory_space<semaphore_mem>>)
      %dma_wait3A_50 = arith.constant 0 : i32
      %dma_wait3A_51 = tpu.memref_slice %arg6[%arg0, %mul3A_4, %dma_wait3A_50] : memref<2x10000x128xf32, #tpu.memory_space<hbm>> -> memref<1x624x128xf32, #tpu.memory_space<hbm>>
      %dma_wait3A_52 = tpu.memref_squeeze %dma_wait3A_51 : memref<1x624x128xf32, #tpu.memory_space<hbm>> -> memref<624x128xf32, #tpu.memory_space<hbm>>
      %dma_wait3A_53 = arith.constant 0 : i32
      %dma_wait3A_54 = tpu.memref_slice %arg11[%mul3A_4, %dma_wait3A_53] : memref<10000x128xf32, #tpu.memory_space<vmem_shared>> -> memref<624x128xf32, #tpu.memory_space<vmem_shared>>
      tpu.wait_dma2 semaphore(%run_scoped3A_44 : memref<!tpu.dma_semaphore, #tpu.memory_space<semaphore_mem>>) src(%dma_wait3A_54 : memref<624x128xf32, #tpu.memory_space<vmem_shared>>) dst(%dma_wait3A_52 : memref<624x128xf32, #tpu.memory_space<hbm>>)
      tpu.yield
    }) : () -> ()
    %eq3A_39 = arith.constant 0 : i32
    %eq3A_40 = arith.cmpi eq, %arg1, %eq3A_39 : i32
    %convert_element_type3A_41 = arith.extui %eq3A_40 : i1 to i32
    %cond3A_42 = arith.constant 0 : i32
    %cond3A_43 = arith.cmpi ne, %convert_element_type3A_41, %cond3A_42 : i32
    scf.if %cond3A_43 {
      "tpu.region"() ({
        %run_scoped3A_44 = tpu.sem_alloc : memref<!tpu.dma_semaphore, #tpu.memory_space<semaphore_mem>>
        %dma_start3A_45 = arith.constant 9984 : i32
        %dma_start3A_46 = arith.constant 0 : i32
        %dma_start3A_47 = tpu.memref_slice %arg6[%arg0, %dma_start3A_45, %dma_start3A_46] : memref<2x10000x128xf32, #tpu.memory_space<hbm>> -> memref<1x16x128xf32, #tpu.memory_space<hbm>>
        %dma_start3A_48 = tpu.memref_squeeze %dma_start3A_47 : memref<1x16x128xf32, #tpu.memory_space<hbm>> -> memref<16x128xf32, #tpu.memory_space<hbm>>
        %dma_start3A_49 = arith.constant 9984 : i32
        %dma_start3A_50 = arith.constant 0 : i32
        %dma_start3A_51 = tpu.memref_slice %arg11[%dma_start3A_49, %dma_start3A_50] : memref<10000x128xf32, #tpu.memory_space<vmem_shared>> -> memref<16x128xf32, #tpu.memory_space<vmem_shared>>
        tpu.enqueue_dma source(%dma_start3A_51 : memref<16x128xf32, #tpu.memory_space<vmem_shared>>) target(%dma_start3A_48 : memref<16x128xf32, #tpu.memory_space<hbm>>) target_semaphore(%run_scoped3A_44 : memref<!tpu.dma_semaphore, #tpu.memory_space<semaphore_mem>>)
        %dma_wait3A_52 = arith.constant 9984 : i32
        %dma_wait3A_53 = arith.constant 0 : i32
        %dma_wait3A_54 = tpu.memref_slice %arg6[%arg0, %dma_wait3A_52, %dma_wait3A_53] : memref<2x10000x128xf32, #tpu.memory_space<hbm>> -> memref<1x16x128xf32, #tpu.memory_space<hbm>>
        %dma_wait3A_55 = tpu.memref_squeeze %dma_wait3A_54 : memref<1x16x128xf32, #tpu.memory_space<hbm>> -> memref<16x128xf32, #tpu.memory_space<hbm>>
        %dma_wait3A_56 = arith.constant 9984 : i32
        %dma_wait3A_57 = arith.constant 0 : i32
        %dma_wait3A_58 = tpu.memref_slice %arg11[%dma_wait3A_56, %dma_wait3A_57] : memref<10000x128xf32, #tpu.memory_space<vmem_shared>> -> memref<16x128xf32, #tpu.memory_space<vmem_shared>>
        tpu.wait_dma2 semaphore(%run_scoped3A_44 : memref<!tpu.dma_semaphore, #tpu.memory_space<semaphore_mem>>) src(%dma_wait3A_58 : memref<16x128xf32, #tpu.memory_space<vmem_shared>>) dst(%dma_wait3A_55 : memref<16x128xf32, #tpu.memory_space<hbm>>)
        tpu.yield
      }) : () -> ()
    } else {
    }
    return
  }
}

module attributes {stable_mosaic.version = 14 : i64} {
  func.func @_mlp_body(%arg0: i32, %arg1: memref<4000x128xf32, #tpu.memory_space<vmem>>, %arg2: memref<4000x128xf32, #tpu.memory_space<vmem>>, %arg3: memref<4000x1xf32, #tpu.memory_space<vmem>>, %arg4: memref<128x128xbf16, #tpu.memory_space<vmem>>, %arg5: memref<128x128xbf16, #tpu.memory_space<vmem>>, %arg6: memref<1x128xf32, #tpu.memory_space<vmem>>, %arg7: memref<128x128xbf16, #tpu.memory_space<vmem>>, %arg8: memref<1x128xf32, #tpu.memory_space<vmem>>, %arg9: memref<4000x128xf32, #tpu.memory_space<vmem>>) attributes {dimension_semantics = [#tpu.dimension_semantics<arbitrary>], iteration_bounds = array<i64: 80>, scalar_prefetch = 0 : i64, scratch_operands = 0 : i64, tpu.core_type = #tpu.core_type<tc>, window_params = [{transform_indices = @transform_0, window_bounds = array<i64: 4000, 128>}, {transform_indices = @transform_1, window_bounds = array<i64: 4000, 128>}, {transform_indices = @transform_2, window_bounds = array<i64: 4000, 1>}, {pipeline_mode = #tpu.pipeline_mode<synchronous>, transform_indices = @transform_3, window_bounds = array<i64: 128, 128>}, {pipeline_mode = #tpu.pipeline_mode<synchronous>, transform_indices = @transform_4, window_bounds = array<i64: 128, 128>}, {pipeline_mode = #tpu.pipeline_mode<synchronous>, transform_indices = @transform_5, window_bounds = array<i64: 1, 128>}, {pipeline_mode = #tpu.pipeline_mode<synchronous>, transform_indices = @transform_6, window_bounds = array<i64: 128, 128>}, {pipeline_mode = #tpu.pipeline_mode<synchronous>, transform_indices = @transform_7, window_bounds = array<i64: 1, 128>}, {transform_indices = @transform_8, window_bounds = array<i64: 4000, 128>}]} {
    %get3A = arith.constant 0 : index
    %get3A_0 = arith.constant 0 : index
    %get3A_1 = vector.load %arg1[%get3A, %get3A_0] : memref<4000x128xf32, #tpu.memory_space<vmem>>, vector<4000x128xf32>
    %get3A_2 = arith.constant 0 : index
    %get3A_3 = arith.constant 0 : index
    %get3A_4 = vector.load %arg4[%get3A_2, %get3A_3] : memref<128x128xbf16, #tpu.memory_space<vmem>>, vector<128x128xbf16>
    %dot_general3A = arith.constant dense<0.000000e+00> : vector<4000x128xf32>
    %dot_general3A_5 = tpu.matmul %get3A_1, %get3A_4, %dot_general3A {dimension_numbers = #tpu.dot_dimension_numbers<[1], [0], [0], [1], [0, 0, 1, 1], [], []>, transpose_lhs_hint = false} : vector<4000x128xf32>, vector<128x128xbf16>, vector<4000x128xf32> -> vector<4000x128xf32>
    %get3A_6 = arith.constant 0 : index
    %get3A_7 = arith.constant 0 : index
    %get3A_8 = vector.load %arg2[%get3A_6, %get3A_7] : memref<4000x128xf32, #tpu.memory_space<vmem>>, vector<4000x128xf32>
    %get3A_9 = arith.constant 0 : index
    %get3A_10 = arith.constant 0 : index
    %get3A_11 = vector.load %arg5[%get3A_9, %get3A_10] : memref<128x128xbf16, #tpu.memory_space<vmem>>, vector<128x128xbf16>
    %dot_general3A_12 = arith.constant dense<0.000000e+00> : vector<4000x128xf32>
    %dot_general3A_13 = tpu.matmul %get3A_8, %get3A_11, %dot_general3A_12 {dimension_numbers = #tpu.dot_dimension_numbers<[1], [0], [0], [1], [0, 0, 1, 1], [], []>, transpose_lhs_hint = false} : vector<4000x128xf32>, vector<128x128xbf16>, vector<4000x128xf32> -> vector<4000x128xf32>
    %add3A = arith.addf %dot_general3A_5, %dot_general3A_13 : vector<4000x128xf32>
    %get3A_14 = arith.constant 0 : index
    %get3A_15 = arith.constant 0 : index
    %get3A_16 = vector.load %arg6[%get3A_14, %get3A_15] : memref<1x128xf32, #tpu.memory_space<vmem>>, vector<1x128xf32>
    %add3A_17 = vector.broadcast %get3A_16 : vector<1x128xf32> to vector<4000x128xf32>
    %add3A_18 = arith.addf %add3A, %add3A_17 : vector<4000x128xf32>
    %tanh3A = math.tanh %add3A_18 : vector<4000x128xf32>
    %get3A_19 = arith.constant 0 : index
    %get3A_20 = arith.constant 0 : index
    %get3A_21 = vector.load %arg7[%get3A_19, %get3A_20] : memref<128x128xbf16, #tpu.memory_space<vmem>>, vector<128x128xbf16>
    %dot_general3A_22 = arith.constant dense<0.000000e+00> : vector<4000x128xf32>
    %dot_general3A_23 = tpu.matmul %tanh3A, %get3A_21, %dot_general3A_22 {dimension_numbers = #tpu.dot_dimension_numbers<[1], [0], [0], [1], [0, 0, 1, 1], [], []>, transpose_lhs_hint = false} : vector<4000x128xf32>, vector<128x128xbf16>, vector<4000x128xf32> -> vector<4000x128xf32>
    %get3A_24 = arith.constant 0 : index
    %get3A_25 = arith.constant 0 : index
    %get3A_26 = vector.load %arg8[%get3A_24, %get3A_25] : memref<1x128xf32, #tpu.memory_space<vmem>>, vector<1x128xf32>
    %add3A_27 = vector.broadcast %get3A_26 : vector<1x128xf32> to vector<4000x128xf32>
    %add3A_28 = arith.addf %dot_general3A_23, %add3A_27 : vector<4000x128xf32>
    %tanh3A_29 = math.tanh %add3A_28 : vector<4000x128xf32>
    %get3A_30 = arith.constant 0 : index
    %get3A_31 = arith.constant 0 : index
    %get3A_32 = vector.load %arg3[%get3A_30, %get3A_31] : memref<4000x1xf32, #tpu.memory_space<vmem>>, vector<4000x1xf32>
    %mul3A = vector.broadcast %get3A_32 : vector<4000x1xf32> to vector<4000x128xf32>
    %mul3A_33 = arith.mulf %tanh3A_29, %mul3A : vector<4000x128xf32>
    %swap3A = arith.constant 0 : index
    %swap3A_34 = arith.constant 0 : index
    %swap3A_35 = vector.load %arg9[%swap3A, %swap3A_34] : memref<4000x128xf32, #tpu.memory_space<vmem>>, vector<4000x128xf32>
    tpu.vector_store %arg9[%swap3A, %swap3A_34], %mul3A_33 {strides = array<i32>} : memref<4000x128xf32, #tpu.memory_space<vmem>>, vector<4000x128xf32>,
    return
  }
  func.func @transform_0(%arg0: i32) -> (i32, i32) {
    %c0_i32 = arith.constant 0 : i32
    %c0_i32_0 = arith.constant 0 : i32
    return %arg0, %c0_i32 : i32, i32
  }
  func.func @transform_1(%arg0: i32) -> (i32, i32) {
    %c0_i32 = arith.constant 0 : i32
    %c0_i32_0 = arith.constant 0 : i32
    return %arg0, %c0_i32 : i32, i32
  }
  func.func @transform_2(%arg0: i32) -> (i32, i32) {
    %c0_i32 = arith.constant 0 : i32
    %c0_i32_0 = arith.constant 0 : i32
    return %arg0, %c0_i32 : i32, i32
  }
  func.func @transform_3(%arg0: i32) -> (i32, i32) {
    %c0_i32 = arith.constant 0 : i32
    %c0_i32_0 = arith.constant 0 : i32
    %c0_i32_1 = arith.constant 0 : i32
    return %c0_i32, %c0_i32_0 : i32, i32
  }
  func.func @transform_4(%arg0: i32) -> (i32, i32) {
    %c0_i32 = arith.constant 0 : i32
    %c0_i32_0 = arith.constant 0 : i32
    %c0_i32_1 = arith.constant 0 : i32
    return %c0_i32, %c0_i32_0 : i32, i32
  }
  func.func @transform_5(%arg0: i32) -> (i32, i32) {
    %c0_i32 = arith.constant 0 : i32
    %c0_i32_0 = arith.constant 0 : i32
    %c0_i32_1 = arith.constant 0 : i32
    return %c0_i32, %c0_i32_0 : i32, i32
  }
  func.func @transform_6(%arg0: i32) -> (i32, i32) {
    %c0_i32 = arith.constant 0 : i32
    %c0_i32_0 = arith.constant 0 : i32
    %c0_i32_1 = arith.constant 0 : i32
    return %c0_i32, %c0_i32_0 : i32, i32
  }
  func.func @transform_7(%arg0: i32) -> (i32, i32) {
    %c0_i32 = arith.constant 0 : i32
    %c0_i32_0 = arith.constant 0 : i32
    %c0_i32_1 = arith.constant 0 : i32
    return %c0_i32, %c0_i32_0 : i32, i32
  }
  func.func @transform_8(%arg0: i32) -> (i32, i32) {
    %c0_i32 = arith.constant 0 : i32
    %c0_i32_0 = arith.constant 0 : i32
    return %arg0, %c0_i32 : i32, i32
  }
}

module attributes {stable_mosaic.version = 14 : i64} {
  func.func @_add_body(%arg0: i32, %arg1: memref<2x1000x128xf32, #tpu.memory_space<vmem>>, %arg2: memref<1000x128xf32, #tpu.memory_space<vmem>>) attributes {dimension_semantics = [#tpu.dimension_semantics<arbitrary>], iteration_bounds = array<i64: 10>, scalar_prefetch = 0 : i64, scratch_operands = 0 : i64, tpu.core_type = #tpu.core_type<tc>, window_params = [{transform_indices = @transform_0, window_bounds = array<i64: 2, 1000, 128>}, {transform_indices = @transform_1, window_bounds = array<i64: 1000, 128>}]} {
    %get3A = arith.constant 0 : index
    %get3A_0 = arith.constant 0 : index
    %get3A_1 = arith.constant 0 : index
    %get3A_2 = vector.load %arg1[%get3A, %get3A_0, %get3A_1] : memref<2x1000x128xf32, #tpu.memory_space<vmem>>, vector<1x1000x128xf32>
    %get3A_3 = vector.shape_cast %get3A_2 : vector<1x1000x128xf32> to vector<1000x128xf32>
    %get3A_4 = arith.constant 1 : index
    %get3A_5 = arith.constant 0 : index
    %get3A_6 = arith.constant 0 : index
    %get3A_7 = vector.load %arg1[%get3A_4, %get3A_5, %get3A_6] : memref<2x1000x128xf32, #tpu.memory_space<vmem>>, vector<1x1000x128xf32>
    %get3A_8 = vector.shape_cast %get3A_7 : vector<1x1000x128xf32> to vector<1000x128xf32>
    %add3A = arith.addf %get3A_3, %get3A_8 : vector<1000x128xf32>
    %swap3A = arith.constant 0 : index
    %swap3A_9 = arith.constant 0 : index
    %swap3A_10 = vector.load %arg2[%swap3A, %swap3A_9] : memref<1000x128xf32, #tpu.memory_space<vmem>>, vector<1000x128xf32>
    tpu.vector_store %arg2[%swap3A, %swap3A_9], %add3A {strides = array<i32>} : memref<1000x128xf32, #tpu.memory_space<vmem>>, vector<1000x128xf32>,
    return
  }
  func.func @transform_0(%arg0: i32) -> (i32, i32, i32) {
    %c0_i32 = arith.constant 0 : i32
    %c0_i32_0 = arith.constant 0 : i32
    %c0_i32_1 = arith.constant 0 : i32
    return %c0_i32, %arg0, %c0_i32_0 : i32, i32, i32
  }
  func.func @transform_1(%arg0: i32) -> (i32, i32) {
    %c0_i32 = arith.constant 0 : i32
    %c0_i32_0 = arith.constant 0 : i32
    return %arg0, %c0_i32 : i32, i32
  }
}

</mosaic_0001>

<sc_bundles>
// kernel: kernel.6.cloned.1.call-start
scs
__scs_entry_jumppad:
0x0: {  	(pc) =	sbr.rel $0x88, $3  }
0x1: {  	(tag) =	ssettag $0x0;
	lr =	simm.s32 $0x1  }
0x2: {  	[smem:$0x3F99] =	sst lr;
	_ =	strace $0xD0000000  }
0x3: {  	_ = 	snop  }
0x4: {  	_ = 	snop  }
0x5: {  	_ = 	snop  }
0x6: {  	_ = 	snop  }
0x7: {  	_ = 	snop  }
__scs_overlays_trampoline_lowered:
0x8: {  	[smem:$0x3FA8] =	sst s0  }
0x9: {  	[smem:$0x3FA9] =	sst s1  }
0xa: {  	[smem:$0x3FAA] =	sst s2  }
0xb: {  	[smem:$0x3FAB] =	sst s3  }
0xc: {  	[smem:$0x3FAC] =	sst s4  }
0xd: {  	[smem:$0x3FAD] =	sst s5  }
0xe: {  	[smem:$0x3FAE] =	sst s6  }
0xf: {  	[smem:$0x3FAF] =	sst s7  }
0x10: {  	[smem:$0x3FB0] =	sst s8  }
0x11: {  	[smem:$0x3FB1] =	sst s9;
	s0 =	simm.s32 @!p0 $0x0  }
0x12: {  	s1 =	sld [smem:$0x3F97];
	s0 =	simm.s32 @p0 $0x1  }
0x13: {  	[smem:$0x3FB2] =	sst s0;
	s0 =	simm.s32 @!p1 $0x0  }
0x14: {  	s2 =	sld [smem:$0x3F96];
	s0 =	simm.s32 @p1 $0x1  }
0x15: {  	[smem:$0x3FB3] =	sst s0;
	s0 =	simm.s32 @!p2 $0x0  }
0x16: {  	s3 =	sld [smem:$0x3FDB];
	s0 =	simm.s32 @p2 $0x1  }
0x17: {  	s4 =	simm.s32 $0x1BF5;
	[smem:$0x3FB5] =	sst s0  }
0x18: {  	s0 =	sld [smem:$0x3F98];
	_ =	swait.ge [sflag:s4], $0x0  }
0x19: {  	s7 =	sld [smem:$0x3F99]  }
0x1a: {  	s8 =	sadd.s32 $0xFFFFE003, lr  }
0x1b: {  	s9 =	sadd.s32 $0xFFFFFEF7, lr;
	s5 =	simm.s32 $0xFFFFFFFF;
	p2 =	slt.u32 s8, $0xFFFFF086  }
0x1c: {  	p1 =	slt.u32 s9, $0xF7A;
	s5 =	simm.s32 @!p2 $0x0  }
0x1d: {  	s5 =	simm.s32 @p1 $0x1;
	p0 =	seq.s32 s7, s2  }
0x1e: {  	s7 =	smul.u32 @!p0 $0xF7A, s2;
	p2 =	seq.s32 @!p0 s5, $0x0  }
0x1f: {  	s9 =	smul.u32 $0xF7A, s1;
	s8 =	simm.s32 @!p0 $0x1BF5;
	p2 =	por !p2, p0  }
0x20: {  	[sflag:s8] =	ssyncset.s32 @!p0 $0xFFFFF086;
	s6 =	sadd.s32 @!p0 s3, s7;
	s7 =	simm.s32 @!p0 $0x108  }
0x21: {  	s3 =	sadd.s32 s3, s9;
	s6 =	sadd.s32 @!p0 $0x88, s6;
	s7 =	simm.s32 @p2 $0x1082  }
0x22: {  	[simem:s7], [sflag:s8] =	dma.local @!p0 [hbm:s6], $0xF7A  }
0x23: {  	s9 =	sor.u32 $0xD0000000, s2;
	s6 =	simm.s32 $0x108;
	_ =	swait.ge @!p0 [sflag:s8], $0x0  }
0x24: {  	s3 =	sadd.s32 $0x88, s3;
	s6 =	simm.s32 @!p1 $0x1082;
	[sflag:s4] =	ssyncset.s32 $0xFFFFF086  }
0x25: {  	[simem:s6], [sflag:s4] =	dma.local [hbm:s3], $0xF7A  }
0x26: {  	[smem:$0x3F99] =	sst s1;
	(tag) =	ssettag s2;
	_ =	strace s9  }
0x27: {  	s1 =	sld [smem:$0x3FA9]  }
0x28: {  	s2 =	sld [smem:$0x3FAA]  }
0x29: {  	s4 =	sld [smem:$0x3FAC]  }
0x2a: {  	p0 =	seq.s32 s5, $0x0;
	s5 =	sld [smem:$0x3FAD]  }
0x2b: {  	s6 =	sld [smem:$0x3FAE]  }
0x2c: {  	s7 =	sld [smem:$0x3FAF]  }
0x2d: {  	s3 =	simm.s32 $0x108;
	s8 =	sld [smem:$0x3FB0]  }
0x2e: {  	s3 =	simm.s32 @!p0 $0x1082;
	s9 =	sld [smem:$0x3FB1]  }
0x2f: {  	lr =	sadd.s32 s0, s3;
	s0 =	sld [smem:$0x3FA8]  }
0x30: {  	s3 =	sld [smem:$0x3FAB]  }
0x31: {  	[smem:$0x3FB4] =	sst s10  }
0x32: {  	s10 =	sld [smem:$0x3FB2];
	_ =	sdelay $0x3  }
0x33: {  	p0 =	seq.s32 s10, $0x1;
	s10 =	sld [smem:$0x3FB4];
	_ =	sdelay $0x3  }
0x34: {  	[smem:$0x3FB4] =	sst s10  }
0x35: {  	s10 =	sld [smem:$0x3FB3];
	_ =	sdelay $0x3  }
0x36: {  	p1 =	seq.s32 s10, $0x1;
	s10 =	sld [smem:$0x3FB4];
	_ =	sdelay $0x3  }
0x37: {  	[smem:$0x3FB4] =	sst s10  }
0x38: {  	s10 =	sld [smem:$0x3FB5]  }
0x39: {  	_ = 	snop;
	(pc) =	sbr.ind lr, $3  }
0x3a: {  	_ = 	snop  }
0x3b: {  	_ = 	snop  }
0x3c: {  	p2 =	seq.s32 s10, $0x1;
	s10 =	sld [smem:$0x3FB4]  }
0x3d: {  	_ =	shalt  }
0x3e: {  	_ =	shalt  }
0x3f: {  	_ =	shalt  }
0x40: {  	_ =	shalt  }
0x41: {  	_ =	shalt  }
0x42: {  	_ =	shalt  }
0x43: {  	_ =	shalt  }
0x44: {  	_ =	shalt  }
0x45: {  	_ =	shalt  }
0x46: {  	_ =	shalt  }
0x47: {  	_ =	shalt  }
0x48: {  	_ =	shalt  }
0x49: {  	_ =	shalt  }
0x4a: {  	_ =	shalt  }
0x4b: {  	_ =	shalt  }
0x4c: {  	_ =	shalt  }
0x4d: {  	_ =	shalt  }
0x4e: {  	_ =	shalt  }
0x4f: {  	_ =	shalt  }
0x50: {  	_ =	shalt  }
0x51: {  	_ =	shalt  }
0x52: {  	_ =	shalt  }
0x53: {  	_ =	shalt  }
0x54: {  	_ =	shalt  }
0x55: {  	_ =	shalt  }
0x56: {  	_ =	shalt  }
0x57: {  	_ =	shalt  }
0x58: {  	_ =	shalt  }
0x59: {  	_ =	shalt  }
0x5a: {  	_ =	shalt  }
0x5b: {  	_ =	shalt  }
0x5c: {  	_ =	shalt  }
0x5d: {  	_ =	shalt  }
0x5e: {  	_ =	shalt  }
0x5f: {  	_ =	shalt  }
0x60: {  	_ =	shalt  }
0x61: {  	_ =	shalt  }
0x62: {  	_ =	shalt  }
0x63: {  	_ =	shalt  }
0x64: {  	_ =	shalt  }
0x65: {  	_ =	shalt  }
0x66: {  	_ =	shalt  }
0x67: {  	_ =	shalt  }
0x68: {  	_ =	shalt  }
0x69: {  	_ =	shalt  }
0x6a: {  	_ =	shalt  }
0x6b: {  	_ =	shalt  }
0x6c: {  	_ =	shalt  }
0x6d: {  	_ =	shalt  }
0x6e: {  	_ =	shalt  }
0x6f: {  	_ =	shalt  }
0x70: {  	_ =	shalt  }
0x71: {  	_ =	shalt  }
0x72: {  	_ =	shalt  }
0x73: {  	_ =	shalt  }
0x74: {  	_ =	shalt  }
0x75: {  	_ =	shalt  }
0x76: {  	_ =	shalt  }
0x77: {  	_ =	shalt  }
0x78: {  	_ =	shalt  }
0x79: {  	_ =	shalt  }
0x7a: {  	_ =	shalt  }
0x7b: {  	_ =	shalt  }
0x7c: {  	_ =	shalt  }
0x7d: {  	_ =	shalt  }
0x7e: {  	_ =	shalt  }
0x7f: {  	_ =	shalt  }
0x80: {  	_ =	shalt  }
0x81: {  	_ =	shalt  }
0x82: {  	_ =	shalt  }
0x83: {  	_ =	shalt  }
0x84: {  	_ =	shalt  }
0x85: {  	_ =	shalt  }
0x86: {  	_ =	shalt  }
0x87: {  	_ =	shalt  }
.Lfunc_end0:
.L_simem_size_0:
called_computation_lowered:
.L_overlay_start_0:
0x88: {  	s2 =	sld [smem:$0x3FD9]  }
0x89: {  	s3 =	sld [smem:$0x3FFE];
	_ =	sdelay $0x1  }
0x8a: {  	s1 =	srdreg.scid  }
0x8b: {  	s0 =	sand.u32 $0x1, s1  }
0x8c: {  	s17 =	sshll.u32 s0, $0xA;
	s2 =	sadd.s32 s3, s2  }
0x8d: {  	s2 =	sadd.s32 s2, s17  }
0x8e: {  	[smem:$0x3FC0] =	sst s2  }
0x8f: {  	_ = 	snop  }
0x90: {  	s2 =	sld [smem:$0x3FC9]  }
0x91: {  	s18 =	sld [smem:$0x3FD0];
	(tm) =	ssettm $0x1  }
0x92: {  	s4 =	sld [smem:$0x3FFB];
	_ =	sdelay $0x3  }
0x93: {  	_ =	strace s4  }
0x94: {  	s4 =	sld [smem:$0x3FFC];
	_ =	sdelay $0x3  }
0x95: {  	_ =	strace s4  }
0x96: {  	s4 =	sld [smem:$0x3FFD];
	_ =	sdelay $0x3  }
0x97: {  	_ =	strace s4  }
0x98: {  	_ =	strace $0x8FFFFFFF  }
0x99: {  	s19 =	sld [smem:$0x3FDB];
	_ =	sdelay $0x1  }
0x9a: {  	s5 =	simm.s32 $_scs_section_size  }
0x9b: {  	s6 =	simm.s32 $_size__tile_overlayer_lowered;
	s7 =	simm.s32 $_tile_overlayer_lowered  }
0x9c: {  	s22 =	simm.s32 $0x1BFF;
	s21 =	sshll.u32 s7, $0x1;
	s4 =	sadd.s32 s5, s19  }
0x9d: {  	s8 =	simm.s32 $0x0;
	s20 =	sshll.u32 s6, $0x1;
	s6 =	sadd.s32 s21, s4  }
0x9e: {  	[timem:s8], [sflag:s22] =	dma.local [hbm:s6], s20  }
0x9f: {  	_ =	swait.ge [sflag:s22], s20  }
0xa0: {  	s5 =	ssub.s32 $0x0, s20;
	[sflag:s22] =	ssyncset.done $0x0  }
0xa1: {  	[sflag:s22] =	ssyncadd.s32 s5;
	_ =	sdelay $0x1  }
0xa2: {  	s23 =	simm.s32 $0x1B8B  }
0xa3: {  	_ =	swait.ge [sflag:s23], $0x1  }
0xa4: {  	[sflag:s23] =	ssyncset.done $0x0  }
0xa5: {  	s25 =	simm.s32 $0x1B8E;
	s24 =	sld [smem:$0x3FFE];
	[sflag:s23] =	ssyncadd.s32 $0xFFFFFFFF  }
0xa6: {  	s26 =	simm.s32 $execute0_lowered;
	[smem:$0x3FD2] =	sst s25  }
0xa7: {  	s6 =	sshll.u32 s26, $0x1;
	_ =	strace $0x80000046;
	[dreg:$0x1] =	wrdreg $0xFFFFFFFF  }
0xa8: {  	s28 =	simm.s32 $_size_execute0_lowered;
	s4 =	sadd.s32 s4, s6;
	[dreg:$0x0] =	wrdreg $0x0  }
0xa9: {  	s6 =	sshll.u32 s28, $0x1;
	[dreg:$0x2] =	wrdreg s4  }
0xaa: {  	[dreg:$0x3] =	wrdreg s6  }
0xab: {  	[dreg:$0x4] =	wrdreg $0xC0  }
0xac: {  	_ =	task [dreg:s8], $0x5FFFF  }
0xad: {  	[dreg:$0x1] =	wrdreg $0xFFFFFFFF  }
0xae: {  	[dreg:$0x0] =	wrdreg $0x60  }
0xaf: {  	[dreg:$0x2] =	wrdreg s2  }
0xb0: {  	[dreg:$0x3] =	wrdreg s18  }
0xb1: {  	[dreg:$0x4] =	wrdreg s24  }
0xb2: {  	[dreg:$0x5] =	wrdreg $0x9  }
0xb3: {  	_ =	task.clear_ibuf [dreg:s8], $0x6FFFF;
	_ =	strace $0x90000046  }
0xb4: {  	s29 =	simm.s32 $0x9;
	_ =	strace $0x80000048  }
0xb5: {  	_ =	swait.ge [sflag:s29], $0x1  }
0xb6: {  	[sflag:s29] =	ssyncadd.s32 $0xFFFFFFFF  }
0xb7: {  	_ =	strace $0x90000048  }
0xb8: {  	_ =	sfence  }
0xb9: {  	s30 =	sld [smem:$0x0];
	_ =	sdelay $0x2  }
0xba: {  	s31 =	sshll.u32 s1, $0xD;
	s1 =	sshrl.u32 s1, $0x2  }
0xbb: {  	s3 =	sand.u32 $0x4000, s31;
	s1 =	sadd.s32 s1, s30  }
0xbc: {  	s0 =	sor.u32 s3, s0;
	s1 =	sshll.u32 s1, $0x11  }
0xbd: {  	s0 =	sor.u32 s1, s0  }
0xbe: {  	s0 =	sadd.s32 $0x8F2B, s0  }
0xbf: {  	[sflag:s0] =	ssyncadd.remote.s32 $0x1  }
0xc0: {  	_ =	sfence.sel $0xFFFF  }
0xc1: {  	[dreg:$0x0] =	wrdreg $0xFFFFFFFF;
	(pc) =	sbr.abs _section_cstart, $3  }
0xc2: {  	[dreg:$0x1] =	wrdreg $0xFFFFFFFF  }
0xc3: {  	_ =	task.clear_ibuf [dreg:s8], $0x2FFFF;
	_ =	strace $0x9FFFFFFF  }
0xc4: {  	(tm) =	ssettm $0x7FFFFFFF  }
0xc5: {  	_ =	shalt  }
tec
execute0_lowered:
.L_overlay_start_1:
0x0: {  	(tag) =	ssettag $0x1  }
0x1: {  	s1 =	rddreg [dreg:$0x0]  }
0x2: {  	s0 =	srdreg.scid;
	s2 =	rddreg [dreg:$0x1]  }
0x3: {  	s25 =	stileid.u32;
	s4 =	rddreg [dreg:$0x2]  }
0x4: {  	s28 =	simm.s32 $0x1;
	s29 =	simm.s32 $0x3;
	s30 =	simm.s32 $0x2  }
0x5: {  	s31 =	simm.s32 $0x4;
	s0 =	sand.u32 $0x1, s0;
	s3 =	sshll.u32 s25, $0x1  }
0x6: {  	s16 =	sadd.s32 $0xCA00, s4;
	s23 =	smul.u32 $0x270000, s25;
	p0 =	sgt.u32 s25, $0x1  }
0x7: {  	s5 =	sor.u32 s0, s3;
	s3 =	simm.s32 $0x0;
	s15 =	ssub.s32 $0x2, s0  }
0x8: {  	s6 =	smul.u32 $0x500, s5;
	[smem:$0x7FF] =	sst s3;
	s8 =	sshll.u32 s5, $0x4  }
0x9: {  	s9 =	smul.u32 $0x138000, s5;
	s10 =	sshrl.u32 s15, $0x1;
	s22 =	sshll.u32 s5, $0xB  }
0xa: {  	_ =	strace $0x80000047;
	s14 =	ssub.s32 s15, s10;
	s15 =	smul.u32 $0x138000, s0  }
0xb: {  	s11 =	sadd.s32 s8, s4;
	s0 =	smul.u32 $0x27000, s0;
	s7 =	sadd.s32 s6, s4  }
0xc: {  	s4 =	sadd.s32 $0x4EEA00, s4;
	s2 =	sadd.s32 s2, s6;
	s17 =	sshrl.u32 s9, $0x3  }
0xd: {  	s10 =	sadd.s32 $0xC800, s11;
	s11 =	sadd.s32 $0xC600, s11;
	s14 =	smax.u32 s14, $0x1  }
0xe: {  	[dreg:$0x4] =	wrdreg s2;
	s18 =	sadd.s32 $0x2600, s7;
	s19 =	sadd.s32 $0x26000, s17  }
0xf: {  	s2 =	sadd.s32 $0x26800, s17;
	s17 =	smul.u32 $0x4E000, s25;
	s24 =	sadd.s32 s15, s23  }
0x10: {  	s23 =	simm.s32 $0xD100;
	[dreg:$0x5] =	wrdreg s18;
	s20 =	sadd.s32 s16, s19  }
0x11: {  	s21 =	sadd.s32 s4, s19;
	s8 =	sadd.s32 s16, s2;
	s9 =	sadd.s32 s4, s2  }
0x12: {  	s2 =	sor.u32 $0x4E0000, s22;
	s19 =	simm.s32 $0x5;
	[dreg:$0x6] =	wrdreg s20  }
0x13: {  	s22 =	simm.s32 $0x5100;
	[dreg:$0x7] =	wrdreg s21;
	s12 =	sadd.s32 s16, s2  }
0x14: {  	s13 =	sadd.s32 s4, s2;
	s2 =	sshrl.u32 s24, $0x3;
	s26 =	sadd.s32 s17, s16  }
0x15: {  	s20 =	simm.s32 $0x2800;
	s21 =	simm.s32 $0x80;
	s24 =	simm.s32 $0x9100  }
0x16: {  	s15 =	sadd.s32 s2, s4;
	s5 =	sadd.s32 s0, s26;
	s4 =	sadd.s32 s17, s4  }
0x17: {  	s16 =	sadd.s32 s2, s16;
	s26 =	simm.s32 $0x11100;
	s0 =	sadd.s32 s0, s4  }
0x18: {  	s2 =	simm.s32 $0x0;
	s17 =	sadd.s32 $0x800, s5;
	s18 =	sadd.s32 $0x800, s0  }
.LBB2_1:
0x19: {  	s0 =	rddreg [dreg:$0x4]  }
0x1a: {  	[tilespmem:s3], [sflag:$0x5] =	stream.linear.gather [hbm4b:s0+s3], $0x2700, $0x38;
	[tilespmem:$0x15100] =	vst v63  }
0x1b: {  	_ =	swait.ge [sflag:s19], $0x2700  }
0x1c: {  	[sflag:s19] =	ssyncset.done $0x0  }
0x1d: {  	s5 =	rddreg [dreg:$0x5];
	[sflag:s19] =	ssyncadd.s32 $0xFFFFD900  }
0x1e: {  	[tilespmem:s20], [sflag:$0x5] =	stream.linear.gather [hbm4b:s5+s3], $0x2700, $0x38;
	[tilespmem:$0x15100] =	vst v63  }
0x1f: {  	_ =	swait.ge [sflag:s19], $0x2700  }
0x20: {  	[sflag:s19] =	ssyncset.done $0x0  }
0x21: {  	[sflag:s19] =	ssyncadd.s32 $0xFFFFD900  }
0x22: {  	[tilespmem:s22], [sflag:$0x1] =	stream.indirect.gather [hbm4b:s1+s21], $0x80, s3, s21, $0xb8;
	[tilespmem:$0x15100] =	vst v63  }
0x23: {  	_ = 	snop  }
0x24: {  	[tilespmem:s23], [sflag:$0x1] =	stream.indirect.gather [hbm4b:s1+s21], $0x80, s20, s21, $0xb8;
	[tilespmem:$0x15100] =	vst v63  }
0x25: {  	_ = 	snop  }
0x26: {  	[tilespmem:s24], [sflag:$0x2] =	stream.indirect.gather [hbm4b:s1+s21], $0x80, s21, s21, $0xb8;
	[tilespmem:$0x15100] =	vst v63  }
0x27: {  	s6 =	simm.s32 $0x2880  }
0x28: {  	[tilespmem:s26], [sflag:$0x2] =	stream.indirect.gather [hbm4b:s1+s21], $0x80, s6, s21, $0xb8;
	[tilespmem:$0x15100] =	vst v63  }
0x29: {  	_ =	swait.ge [sflag:s28], $0x4000  }
0x2a: {  	[sflag:s28] =	ssyncset.done $0x0  }
0x2b: {  	[sflag:s28] =	ssyncadd.s32 $0xFFFFC000  }
0x2c: {  	_ =	swait.ge [sflag:s28], $0x4000  }
0x2d: {  	[sflag:s28] =	ssyncset.done $0x0  }
0x2e: {  	s7 =	sadd.s32 $0x0, s16;
	[sflag:s28] =	ssyncadd.s32 $0xFFFFC000  }
0x2f: {  	[hbm4b:s7+s3] =	stream.linear.scatter [tilespmem:s22], [sflag:$0x3], $0x4000, $0x38;
	[tilespmem:$0x15100] =	vst v63  }
0x30: {  	s25 =	sadd.s32 $0x0, s15  }
0x31: {  	[hbm4b:s25+s3] =	stream.linear.scatter [tilespmem:s23], [sflag:$0x3], $0x4000, $0x38;
	[tilespmem:$0x15100] =	vst v63  }
0x32: {  	_ =	swait.ge [sflag:s29], $0x4000  }
0x33: {  	[sflag:s29] =	ssyncset.done $0x0  }
0x34: {  	[sflag:s29] =	ssyncadd.s32 $0xFFFFC000  }
0x35: {  	_ =	swait.ge [sflag:s29], $0x4000  }
0x36: {  	[sflag:s29] =	ssyncset.done $0x0  }
0x37: {  	s4 =	simm.s32 $0x100;
	[sflag:s29] =	ssyncadd.s32 $0xFFFFC000  }
0x38: {  	[tilespmem:s22], [sflag:$0x1] =	stream.indirect.gather [hbm4b:s1+s21], $0x80, s4, s21, $0xb8;
	[tilespmem:$0x15100] =	vst v63  }
0x39: {  	s5 =	simm.s32 $0x2900  }
0x3a: {  	[tilespmem:s23], [sflag:$0x1] =	stream.indirect.gather [hbm4b:s1+s21], $0x80, s5, s21, $0xb8;
	[tilespmem:$0x15100] =	vst v63  }
0x3b: {  	_ =	swait.ge [sflag:s30], $0x4000  }
0x3c: {  	[sflag:s30] =	ssyncset.done $0x0  }
0x3d: {  	[sflag:s30] =	ssyncadd.s32 $0xFFFFC000  }
0x3e: {  	_ =	swait.ge [sflag:s30], $0x4000  }
0x3f: {  	[sflag:s30] =	ssyncset.done $0x0  }
0x40: {  	s6 =	sadd.s32 $0x0, s17;
	[sflag:s30] =	ssyncadd.s32 $0xFFFFC000  }
0x41: {  	[hbm4b:s6+s3] =	stream.linear.scatter [tilespmem:s24], [sflag:$0x4], $0x4000, $0x38;
	[tilespmem:$0x15100] =	vst v63  }
0x42: {  	s7 =	sadd.s32 $0x0, s18  }
0x43: {  	[hbm4b:s7+s3] =	stream.linear.scatter [tilespmem:s26], [sflag:$0x4], $0x4000, $0x38;
	[tilespmem:$0x15100] =	vst v63  }
0x44: {  	_ =	swait.ge [sflag:s31], $0x4000  }
0x45: {  	[sflag:s31] =	ssyncset.done $0x0  }
0x46: {  	[sflag:s31] =	ssyncadd.s32 $0xFFFFC000  }
0x47: {  	_ =	swait.ge [sflag:s31], $0x4000  }
0x48: {  	[sflag:s31] =	ssyncset.done $0x0  }
0x49: {  	s0 =	simm.s32 $0x1000;
	s25 =	simm.s32 $0x180;
	[sflag:s31] =	ssyncadd.s32 $0xFFFFC000  }
0x4a: {  	[tilespmem:s24], [sflag:$0x2] =	stream.indirect.gather [hbm4b:s1+s21], $0x80, s25, s21, $0xb8;
	[tilespmem:$0x15100] =	vst v63  }
0x4b: {  	s4 =	simm.s32 $0x200;
	s5 =	simm.s32 $0x2980;
	s25 =	simm.s32 $0x2A00  }
.LBB2_2:
0x4c: {  	[tilespmem:s26], [sflag:$0x2] =	stream.indirect.gather [hbm4b:s1+s21], $0x80, s5, s21, $0xb8;
	[tilespmem:$0x15100] =	vst v63  }
0x4d: {  	s5 =	smov.u32 s0  }
0x4e: {  	p1 =	sne.s32 s0, $0x25000;
	s0 =	sadd.s32 $0x1000, s0;
	_ =	swait.ge [sflag:s28], $0x4000  }
0x4f: {  	[sflag:s28] =	ssyncset.done $0x0  }
0x50: {  	[sflag:s28] =	ssyncadd.s32 $0xFFFFC000  }
0x51: {  	_ =	swait.ge [sflag:s28], $0x4000  }
0x52: {  	[sflag:s28] =	ssyncset.done $0x0  }
0x53: {  	s6 =	sadd.s32 s5, s16;
	[sflag:s28] =	ssyncadd.s32 $0xFFFFC000  }
0x54: {  	[hbm4b:s6+s3] =	stream.linear.scatter [tilespmem:s22], [sflag:$0x3], $0x4000, $0x38;
	[tilespmem:$0x15100] =	vst v63  }
0x55: {  	s6 =	sadd.s32 s5, s15  }
0x56: {  	[hbm4b:s6+s3] =	stream.linear.scatter [tilespmem:s23], [sflag:$0x3], $0x4000, $0x38;
	[tilespmem:$0x15100] =	vst v63  }
0x57: {  	_ =	swait.ge [sflag:s29], $0x4000  }
0x58: {  	[sflag:s29] =	ssyncset.done $0x0  }
0x59: {  	[sflag:s29] =	ssyncadd.s32 $0xFFFFC000  }
0x5a: {  	_ =	swait.ge [sflag:s29], $0x4000  }
0x5b: {  	[sflag:s29] =	ssyncset.done $0x0  }
0x5c: {  	[sflag:s29] =	ssyncadd.s32 $0xFFFFC000  }
0x5d: {  	[tilespmem:s22], [sflag:$0x1] =	stream.indirect.gather [hbm4b:s1+s21], $0x80, s4, s21, $0xb8;
	[tilespmem:$0x15100] =	vst v63  }
0x5e: {  	_ = 	snop  }
0x5f: {  	[tilespmem:s23], [sflag:$0x1] =	stream.indirect.gather [hbm4b:s1+s21], $0x80, s25, s21, $0xb8;
	[tilespmem:$0x15100] =	vst v63  }
0x60: {  	_ =	swait.ge [sflag:s30], $0x4000  }
0x61: {  	[sflag:s30] =	ssyncset.done $0x0  }
0x62: {  	[sflag:s30] =	ssyncadd.s32 $0xFFFFC000  }
0x63: {  	_ =	swait.ge [sflag:s30], $0x4000  }
0x64: {  	[sflag:s30] =	ssyncset.done $0x0  }
0x65: {  	s6 =	sadd.s32 s5, s17;
	[sflag:s30] =	ssyncadd.s32 $0xFFFFC000  }
0x66: {  	[hbm4b:s6+s3] =	stream.linear.scatter [tilespmem:s24], [sflag:$0x4], $0x4000, $0x38;
	[tilespmem:$0x15100] =	vst v63  }
0x67: {  	s5 =	sadd.s32 s5, s18  }
0x68: {  	[hbm4b:s5+s3] =	stream.linear.scatter [tilespmem:s26], [sflag:$0x4], $0x4000, $0x38;
	[tilespmem:$0x15100] =	vst v63  }
0x69: {  	_ =	swait.ge [sflag:s31], $0x4000  }
0x6a: {  	[sflag:s31] =	ssyncset.done $0x0  }
0x6b: {  	[sflag:s31] =	ssyncadd.s32 $0xFFFFC000  }
.Ltmp0:
0x6c: {  	_ =	swait.ge [sflag:s31], $0x4000;
	(pc) =	sbr.rel @p1 .LBB2_2-.Ltmp0, $4  }
0x6d: {  	[sflag:s31] =	ssyncset.done $0x0  }
0x6e: {  	s5 =	sadd.s32 $0x80, s4;
	[sflag:s31] =	ssyncadd.s32 $0xFFFFC000  }
0x6f: {  	[tilespmem:s24], [sflag:$0x2] =	stream.indirect.gather [hbm4b:s1+s21], $0x80, s5, s21, $0xb8;
	[tilespmem:$0x15100] =	vst v63  }
0x70: {  	s4 =	sadd.s32 $0x100, s4;
	s5 =	sadd.s32 $0x80, s25;
	s25 =	sadd.s32 $0x100, s25  }
0x71: {  	[tilespmem:s26], [sflag:$0x2] =	stream.indirect.gather [hbm4b:s1+s21], $0x80, s5, s21, $0xb8;
	[tilespmem:$0x15100] =	vst v63  }
0x72: {  	_ =	swait.ge [sflag:s28], $0x4000  }
0x73: {  	[sflag:s28] =	ssyncset.done $0x0  }
0x74: {  	[sflag:s28] =	ssyncadd.s32 $0xFFFFC000  }
0x75: {  	_ =	swait.ge [sflag:s28], $0x4000  }
0x76: {  	[sflag:s28] =	ssyncset.done $0x0  }
0x77: {  	s0 =	rddreg [dreg:$0x6];
	[sflag:s28] =	ssyncadd.s32 $0xFFFFC000  }
0x78: {  	[hbm4b:s0+s3] =	stream.linear.scatter [tilespmem:s22], [sflag:$0x5], $0x4000, $0x38;
	[tilespmem:$0x15100] =	vst v63  }
0x79: {  	_ =	swait.ge [sflag:s19], $0x4000  }
0x7a: {  	[sflag:s19] =	ssyncset.done $0x0  }
0x7b: {  	s25 =	rddreg [dreg:$0x7];
	[sflag:s19] =	ssyncadd.s32 $0xFFFFC000  }
0x7c: {  	[hbm4b:s25+s3] =	stream.linear.scatter [tilespmem:s23], [sflag:$0x5], $0x4000, $0x38;
	[tilespmem:$0x15100] =	vst v63  }
0x7d: {  	_ =	swait.ge [sflag:s19], $0x4000  }
0x7e: {  	[sflag:s19] =	ssyncset.done $0x0  }
0x7f: {  	[sflag:s19] =	ssyncadd.s32 $0xFFFFC000  }
0x80: {  	_ =	swait.ge [sflag:s30], $0x4000  }
0x81: {  	[sflag:s30] =	ssyncset.done $0x0  }
0x82: {  	[sflag:s30] =	ssyncadd.s32 $0xFFFFC000  }
0x83: {  	_ =	swait.ge [sflag:s30], $0x4000  }
0x84: {  	[sflag:s30] =	ssyncset.done $0x0  }
0x85: {  	[sflag:s30] =	ssyncadd.s32 $0xFFFFC000  }
0x86: {  	[hbm4b:s8+s3] =	stream.linear.scatter [tilespmem:s24], [sflag:$0x5], $0x4000, $0x38;
	[tilespmem:$0x15100] =	vst v63  }
0x87: {  	_ =	swait.ge [sflag:s19], $0x4000  }
0x88: {  	[sflag:s19] =	ssyncset.done $0x0  }
0x89: {  	[sflag:s19] =	ssyncadd.s32 $0xFFFFC000  }
0x8a: {  	[hbm4b:s9+s3] =	stream.linear.scatter [tilespmem:s26], [sflag:$0x5], $0x4000, $0x38;
	[tilespmem:$0x15100] =	vst v63  }
0x8b: {  	_ =	swait.ge [sflag:s19], $0x4000  }
0x8c: {  	s4 =	simm.s32 @!p0 $0x5000;
	[sflag:s19] =	ssyncset.done $0x0  }
0x8d: {  	s5 =	simm.s32 @!p0 $0x5;
	s0 =	simm.s32 @!p0 $0x0;
	[sflag:s19] =	ssyncadd.s32 $0xFFFFC000  }
0x8e: {  	[tilespmem:s4], [sflag:$0x5] =	stream.linear.gather @!p0 [hbm4b:s10+s0], $0x80, $0x38;
	[tilespmem:$0x15100] =	vst v63  }
0x8f: {  	_ =	swait.ge @!p0 [sflag:s5], $0x80  }
0x90: {  	[sflag:s5] =	ssyncset.done @!p0 $0x0  }
0x91: {  	s6 =	simm.s32 @!p0 $0x5080;
	[sflag:s5] =	ssyncadd.s32 @!p0 $0xFFFFFF80  }
0x92: {  	[tilespmem:s6], [sflag:$0x5] =	stream.linear.gather @!p0 [hbm4b:s11+s0], $0x80, $0x38;
	[tilespmem:$0x15100] =	vst v63  }
0x93: {  	_ =	swait.ge @!p0 [sflag:s5], $0x80  }
0x94: {  	[sflag:s5] =	ssyncset.done @!p0 $0x0  }
0x95: {  	s7 =	simm.s32 @!p0 $0x5100;
	s25 =	simm.s32 @!p0 $0x80;
	[sflag:s5] =	ssyncadd.s32 @!p0 $0xFFFFFF80  }
0x96: {  	[tilespmem:s7], [sflag:$0x1] =	stream.indirect.gather @!p0 [hbm4b:s1+s25], $0x80, s4, s25, $0xb8;
	[tilespmem:$0x15100] =	vst v63  }
0x97: {  	s4 =	simm.s32 @!p0 $0xD100  }
0x98: {  	[tilespmem:s4], [sflag:$0x1] =	stream.indirect.gather @!p0 [hbm4b:s1+s25], $0x80, s6, s25, $0xb8;
	[tilespmem:$0x15100] =	vst v63  }
0x99: {  	s6 =	simm.s32 @!p0 $0x1  }
0x9a: {  	_ =	swait.ge @!p0 [sflag:s6], $0x4000  }
0x9b: {  	[sflag:s6] =	ssyncset.done @!p0 $0x0  }
0x9c: {  	[sflag:s6] =	ssyncadd.s32 @!p0 $0xFFFFC000  }
0x9d: {  	_ =	swait.ge @!p0 [sflag:s6], $0x4000  }
0x9e: {  	[sflag:s6] =	ssyncset.done @!p0 $0x0  }
0x9f: {  	[sflag:s6] =	ssyncadd.s32 @!p0 $0xFFFFC000  }
0xa0: {  	[hbm4b:s12+s0] =	stream.linear.scatter @!p0 [tilespmem:s7], [sflag:$0x5], $0x4000, $0x38;
	[tilespmem:$0x15100] =	vst v63  }
0xa1: {  	s2 =	sadd.s32 $0x1, s2;
	_ =	swait.ge @!p0 [sflag:s5], $0x4000  }
0xa2: {  	p1 =	sne.s32 s2, s14;
	[sflag:s5] =	ssyncset.done @!p0 $0x0  }
.Ltmp1:
0xa3: {  	[sflag:s5] =	ssyncadd.s32 @!p0 $0xFFFFC000;
	(pc) =	sbr.rel @p1 .LBB2_1-.Ltmp1, $4  }
0xa4: {  	[hbm4b:s13+s0] =	stream.linear.scatter @!p0 [tilespmem:s4], [sflag:$0x5], $0x4000, $0x38;
	[tilespmem:$0x15100] =	vst v63  }
0xa5: {  	_ =	swait.ge @!p0 [sflag:s5], $0x4000  }
0xa6: {  	[sflag:s5] =	ssyncset.done @!p0 $0x0  }
0xa7: {  	[sflag:s5] =	ssyncadd.s32 @!p0 $0xFFFFC000  }
0xa8: {  	_ =	sfence.sel $0x180000  }
0xa9: {  	[bflag:$0x0] =	sbarrier.arrive $0xFFFF  }
0xaa: {  	_ =	strace $0x90000047  }
0xab: {  	s0 =	stileid.u32;
	[bflag:$0x2] =	sbarrier.arrive $0xFFFF  }
0xac: {  	p0 =	sne.s32 s0, $0x0;
	s0 =	rddreg [dreg:$0x3]  }
0xad: {  	s0 =	sadd.s32 @!p0 $0x100000, s0  }
0xae: {  	[sflag:s0] =	ssyncadd.tile.s32 @!p0 $0x1;
	_ =	shalt  }
.Lfunc_end2:
_tile_overlayer_lowered:
.L_overlay_start_2:
0xaf: {  	(tag) =	ssettag $0x2  }
0xb0: {  	s0 =	rddreg [dreg:$0x0];
	s2 =	stileid.u32  }
0xb1: {  	s1 =	rddreg [dreg:$0x1];
	p0 =	sne.s32 s2, $0x0  }
0xb2: {  	s3 =	rddreg [dreg:$0x2];
	[bflag:$0x3] =	sbarrier.arrive $0xFFFF;
	s2 =	simm.s32 @!p0 $0x1C05  }
0xb3: {  	[timem:s3], [sflag:s2] =	dma.local @!p0 [hbm:s0], s1  }
0xb4: {  	s0 =	simm.s32 @!p0 $0x5  }
0xb5: {  	_ =	swait.ge @!p0 [sflag:s0], s1  }
0xb6: {  	s1 =	ssub.s32 @!p0 $0x0, s1;
	[sflag:s0] =	ssyncset.done @!p0 $0x0  }
0xb7: {  	[sflag:s0] =	ssyncadd.s32 @!p0 s1  }
0xb8: {  	[bflag:$0x3] =	sbarrier.arrive $0xFFFF  }
0xb9: {  	_ =	shalt  }

// kernel: kernel.9.cloned.1.call-start
scs
__scs_entry_jumppad:
0x0: {  	(pc) =	sbr.rel $0x88, $3  }
0x1: {  	(tag) =	ssettag $0x0;
	lr =	simm.s32 $0x1  }
0x2: {  	[smem:$0x3F99] =	sst lr;
	_ =	strace $0xD0000000  }
0x3: {  	_ = 	snop  }
0x4: {  	_ = 	snop  }
0x5: {  	_ = 	snop  }
0x6: {  	_ = 	snop  }
0x7: {  	_ = 	snop  }
__scs_overlays_trampoline_lowered:
0x8: {  	[smem:$0x3FA8] =	sst s0  }
0x9: {  	[smem:$0x3FA9] =	sst s1  }
0xa: {  	[smem:$0x3FAA] =	sst s2  }
0xb: {  	[smem:$0x3FAB] =	sst s3  }
0xc: {  	[smem:$0x3FAC] =	sst s4  }
0xd: {  	[smem:$0x3FAD] =	sst s5  }
0xe: {  	[smem:$0x3FAE] =	sst s6  }
0xf: {  	[smem:$0x3FAF] =	sst s7  }
0x10: {  	[smem:$0x3FB0] =	sst s8  }
0x11: {  	[smem:$0x3FB1] =	sst s9;
	s0 =	simm.s32 @!p0 $0x0  }
0x12: {  	s1 =	sld [smem:$0x3F97];
	s0 =	simm.s32 @p0 $0x1  }
0x13: {  	[smem:$0x3FB2] =	sst s0;
	s0 =	simm.s32 @!p1 $0x0  }
0x14: {  	s2 =	sld [smem:$0x3F96];
	s0 =	simm.s32 @p1 $0x1  }
0x15: {  	[smem:$0x3FB3] =	sst s0;
	s0 =	simm.s32 @!p2 $0x0  }
0x16: {  	s3 =	sld [smem:$0x3FDB];
	s0 =	simm.s32 @p2 $0x1  }
0x17: {  	s4 =	simm.s32 $0x1BF5;
	[smem:$0x3FB5] =	sst s0  }
0x18: {  	s0 =	sld [smem:$0x3F98];
	_ =	swait.ge [sflag:s4], $0x0  }
0x19: {  	s7 =	sld [smem:$0x3F99]  }
0x1a: {  	s8 =	sadd.s32 $0xFFFFE003, lr  }
0x1b: {  	s9 =	sadd.s32 $0xFFFFFEF7, lr;
	s5 =	simm.s32 $0xFFFFFFFF;
	p2 =	slt.u32 s8, $0xFFFFF086  }
0x1c: {  	p1 =	slt.u32 s9, $0xF7A;
	s5 =	simm.s32 @!p2 $0x0  }
0x1d: {  	s5 =	simm.s32 @p1 $0x1;
	p0 =	seq.s32 s7, s2  }
0x1e: {  	s7 =	smul.u32 @!p0 $0xF7A, s2;
	p2 =	seq.s32 @!p0 s5, $0x0  }
0x1f: {  	s9 =	smul.u32 $0xF7A, s1;
	s8 =	simm.s32 @!p0 $0x1BF5;
	p2 =	por !p2, p0  }
0x20: {  	[sflag:s8] =	ssyncset.s32 @!p0 $0xFFFFF086;
	s6 =	sadd.s32 @!p0 s3, s7;
	s7 =	simm.s32 @!p0 $0x108  }
0x21: {  	s3 =	sadd.s32 s3, s9;
	s6 =	sadd.s32 @!p0 $0x88, s6;
	s7 =	simm.s32 @p2 $0x1082  }
0x22: {  	[simem:s7], [sflag:s8] =	dma.local @!p0 [hbm:s6], $0xF7A  }
0x23: {  	s9 =	sor.u32 $0xD0000000, s2;
	s6 =	simm.s32 $0x108;
	_ =	swait.ge @!p0 [sflag:s8], $0x0  }
0x24: {  	s3 =	sadd.s32 $0x88, s3;
	s6 =	simm.s32 @!p1 $0x1082;
	[sflag:s4] =	ssyncset.s32 $0xFFFFF086  }
0x25: {  	[simem:s6], [sflag:s4] =	dma.local [hbm:s3], $0xF7A  }
0x26: {  	[smem:$0x3F99] =	sst s1;
	(tag) =	ssettag s2;
	_ =	strace s9  }
0x27: {  	s1 =	sld [smem:$0x3FA9]  }
0x28: {  	s2 =	sld [smem:$0x3FAA]  }
0x29: {  	s4 =	sld [smem:$0x3FAC]  }
0x2a: {  	p0 =	seq.s32 s5, $0x0;
	s5 =	sld [smem:$0x3FAD]  }
0x2b: {  	s6 =	sld [smem:$0x3FAE]  }
0x2c: {  	s7 =	sld [smem:$0x3FAF]  }
0x2d: {  	s3 =	simm.s32 $0x108;
	s8 =	sld [smem:$0x3FB0]  }
0x2e: {  	s3 =	simm.s32 @!p0 $0x1082;
	s9 =	sld [smem:$0x3FB1]  }
0x2f: {  	lr =	sadd.s32 s0, s3;
	s0 =	sld [smem:$0x3FA8]  }
0x30: {  	s3 =	sld [smem:$0x3FAB]  }
0x31: {  	[smem:$0x3FB4] =	sst s10  }
0x32: {  	s10 =	sld [smem:$0x3FB2];
	_ =	sdelay $0x3  }
0x33: {  	p0 =	seq.s32 s10, $0x1;
	s10 =	sld [smem:$0x3FB4];
	_ =	sdelay $0x3  }
0x34: {  	[smem:$0x3FB4] =	sst s10  }
0x35: {  	s10 =	sld [smem:$0x3FB3];
	_ =	sdelay $0x3  }
0x36: {  	p1 =	seq.s32 s10, $0x1;
	s10 =	sld [smem:$0x3FB4];
	_ =	sdelay $0x3  }
0x37: {  	[smem:$0x3FB4] =	sst s10  }
0x38: {  	s10 =	sld [smem:$0x3FB5]  }
0x39: {  	_ = 	snop;
	(pc) =	sbr.ind lr, $3  }
0x3a: {  	_ = 	snop  }
0x3b: {  	_ = 	snop  }
0x3c: {  	p2 =	seq.s32 s10, $0x1;
	s10 =	sld [smem:$0x3FB4]  }
0x3d: {  	_ =	shalt  }
0x3e: {  	_ =	shalt  }
0x3f: {  	_ =	shalt  }
0x40: {  	_ =	shalt  }
0x41: {  	_ =	shalt  }
0x42: {  	_ =	shalt  }
0x43: {  	_ =	shalt  }
0x44: {  	_ =	shalt  }
0x45: {  	_ =	shalt  }
0x46: {  	_ =	shalt  }
0x47: {  	_ =	shalt  }
0x48: {  	_ =	shalt  }
0x49: {  	_ =	shalt  }
0x4a: {  	_ =	shalt  }
0x4b: {  	_ =	shalt  }
0x4c: {  	_ =	shalt  }
0x4d: {  	_ =	shalt  }
0x4e: {  	_ =	shalt  }
0x4f: {  	_ =	shalt  }
0x50: {  	_ =	shalt  }
0x51: {  	_ =	shalt  }
0x52: {  	_ =	shalt  }
0x53: {  	_ =	shalt  }
0x54: {  	_ =	shalt  }
0x55: {  	_ =	shalt  }
0x56: {  	_ =	shalt  }
0x57: {  	_ =	shalt  }
0x58: {  	_ =	shalt  }
0x59: {  	_ =	shalt  }
0x5a: {  	_ =	shalt  }
0x5b: {  	_ =	shalt  }
0x5c: {  	_ =	shalt  }
0x5d: {  	_ =	shalt  }
0x5e: {  	_ =	shalt  }
0x5f: {  	_ =	shalt  }
0x60: {  	_ =	shalt  }
0x61: {  	_ =	shalt  }
0x62: {  	_ =	shalt  }
0x63: {  	_ =	shalt  }
0x64: {  	_ =	shalt  }
0x65: {  	_ =	shalt  }
0x66: {  	_ =	shalt  }
0x67: {  	_ =	shalt  }
0x68: {  	_ =	shalt  }
0x69: {  	_ =	shalt  }
0x6a: {  	_ =	shalt  }
0x6b: {  	_ =	shalt  }
0x6c: {  	_ =	shalt  }
0x6d: {  	_ =	shalt  }
0x6e: {  	_ =	shalt  }
0x6f: {  	_ =	shalt  }
0x70: {  	_ =	shalt  }
0x71: {  	_ =	shalt  }
0x72: {  	_ =	shalt  }
0x73: {  	_ =	shalt  }
0x74: {  	_ =	shalt  }
0x75: {  	_ =	shalt  }
0x76: {  	_ =	shalt  }
0x77: {  	_ =	shalt  }
0x78: {  	_ =	shalt  }
0x79: {  	_ =	shalt  }
0x7a: {  	_ =	shalt  }
0x7b: {  	_ =	shalt  }
0x7c: {  	_ =	shalt  }
0x7d: {  	_ =	shalt  }
0x7e: {  	_ =	shalt  }
0x7f: {  	_ =	shalt  }
0x80: {  	_ =	shalt  }
0x81: {  	_ =	shalt  }
0x82: {  	_ =	shalt  }
0x83: {  	_ =	shalt  }
0x84: {  	_ =	shalt  }
0x85: {  	_ =	shalt  }
0x86: {  	_ =	shalt  }
0x87: {  	_ =	shalt  }
.Lfunc_end0:
.L_simem_size_0:
called_computation.1_lowered:
.L_overlay_start_0:
0x88: {  	s2 =	sld [smem:$0x3FD9]  }
0x89: {  	s3 =	sld [smem:$0x3FFE];
	_ =	sdelay $0x1  }
0x8a: {  	s1 =	srdreg.scid  }
0x8b: {  	s0 =	sand.u32 $0x1, s1  }
0x8c: {  	s17 =	sshll.u32 s0, $0xA;
	s2 =	sadd.s32 s3, s2  }
0x8d: {  	s2 =	sadd.s32 s2, s17  }
0x8e: {  	[smem:$0x3FC0] =	sst s2  }
0x8f: {  	_ = 	snop  }
0x90: {  	s2 =	sld [smem:$0x3FD0];
	(tm) =	ssettm $0x1  }
0x91: {  	s18 =	sld [smem:$0x3FFB];
	_ =	sdelay $0x3  }
0x92: {  	_ =	strace s18  }
0x93: {  	s3 =	sld [smem:$0x3FFC];
	_ =	sdelay $0x3  }
0x94: {  	_ =	strace s3  }
0x95: {  	s3 =	sld [smem:$0x3FFD];
	_ =	sdelay $0x3  }
0x96: {  	_ =	strace s3  }
0x97: {  	_ =	strace $0x8FFFFFFF  }
0x98: {  	s19 =	sld [smem:$0x3FDB];
	_ =	sdelay $0x1  }
0x99: {  	s4 =	simm.s32 $_scs_section_size  }
0x9a: {  	s5 =	simm.s32 $_size__tile_overlayer_lowered;
	s6 =	simm.s32 $_tile_overlayer_lowered  }
0x9b: {  	s22 =	simm.s32 $0x1BFF;
	s21 =	sshll.u32 s6, $0x1;
	s3 =	sadd.s32 s4, s19  }
0x9c: {  	s7 =	simm.s32 $0x0;
	s20 =	sshll.u32 s5, $0x1;
	s5 =	sadd.s32 s21, s3  }
0x9d: {  	[timem:s7], [sflag:s22] =	dma.local [hbm:s5], s20  }
0x9e: {  	_ =	swait.ge [sflag:s22], s20  }
0x9f: {  	s4 =	ssub.s32 $0x0, s20;
	[sflag:s22] =	ssyncset.done $0x0  }
0xa0: {  	[sflag:s22] =	ssyncadd.s32 s4;
	_ =	sdelay $0x1  }
0xa1: {  	s23 =	simm.s32 $0x1B8B  }
0xa2: {  	_ =	swait.ge [sflag:s23], $0x1  }
0xa3: {  	[sflag:s23] =	ssyncset.done $0x0  }
0xa4: {  	s25 =	simm.s32 $0x1B8E;
	s24 =	sld [smem:$0x3FFE];
	[sflag:s23] =	ssyncadd.s32 $0xFFFFFFFF  }
0xa5: {  	s26 =	simm.s32 $execute0_lowered;
	[smem:$0x3FD2] =	sst s25  }
0xa6: {  	s5 =	sshll.u32 s26, $0x1;
	_ =	strace $0x80000049;
	[dreg:$0x1] =	wrdreg $0xFFFFFFFF  }
0xa7: {  	s28 =	simm.s32 $_size_execute0_lowered;
	s3 =	sadd.s32 s3, s5;
	[dreg:$0x0] =	wrdreg $0x0  }
0xa8: {  	s5 =	sshll.u32 s28, $0x1;
	[dreg:$0x2] =	wrdreg s3  }
0xa9: {  	[dreg:$0x3] =	wrdreg s5  }
0xaa: {  	[dreg:$0x4] =	wrdreg $0xC0  }
0xab: {  	_ =	task [dreg:s7], $0x5FFFF  }
0xac: {  	[dreg:$0x1] =	wrdreg $0xFFFFFFFF  }
0xad: {  	[dreg:$0x0] =	wrdreg $0x60  }
0xae: {  	[dreg:$0x2] =	wrdreg s24  }
0xaf: {  	[dreg:$0x3] =	wrdreg s2  }
0xb0: {  	[dreg:$0x4] =	wrdreg $0xA8800  }
0xb1: {  	[dreg:$0x5] =	wrdreg $0x9  }
0xb2: {  	_ =	task.clear_ibuf [dreg:s7], $0x6FFFF;
	_ =	strace $0x90000049  }
0xb3: {  	s29 =	simm.s32 $0x9;
	_ =	strace $0x8000004B  }
0xb4: {  	_ =	swait.ge [sflag:s29], $0x1  }
0xb5: {  	[sflag:s29] =	ssyncadd.s32 $0xFFFFFFFF  }
0xb6: {  	_ =	strace $0x9000004B  }
0xb7: {  	_ =	sfence  }
0xb8: {  	s30 =	sld [smem:$0x0];
	_ =	sdelay $0x2  }
0xb9: {  	s31 =	sshll.u32 s1, $0xD;
	s1 =	sshrl.u32 s1, $0x2  }
0xba: {  	s3 =	sand.u32 $0x4000, s31;
	s1 =	sadd.s32 s1, s30  }
0xbb: {  	s0 =	sor.u32 s3, s0;
	s1 =	sshll.u32 s1, $0x11  }
0xbc: {  	s0 =	sor.u32 s1, s0  }
0xbd: {  	s0 =	sadd.s32 $0x8F2B, s0  }
0xbe: {  	[sflag:s0] =	ssyncadd.remote.s32 $0x1  }
0xbf: {  	_ =	sfence.sel $0xFFFF  }
0xc0: {  	[dreg:$0x0] =	wrdreg $0xFFFFFFFF;
	(pc) =	sbr.abs _section_cstart, $3  }
0xc1: {  	[dreg:$0x1] =	wrdreg $0xFFFFFFFF  }
0xc2: {  	_ =	task.clear_ibuf [dreg:s7], $0x2FFFF;
	_ =	strace $0x9FFFFFFF  }
0xc3: {  	(tm) =	ssettm $0x7FFFFFFF  }
tec
execute0_lowered:
.L_overlay_start_1:
0x0: {  	(tag) =	ssettag $0x1  }
0x1: {  	s3 =	rddreg [dreg:$0x0];
	s0 =	srdreg.scid  }
0x2: {  	s25 =	stileid.u32;
	s5 =	rddreg [dreg:$0x1]  }
0x3: {  	s1 =	rddreg [dreg:$0x2];
	s2 =	simm.s32 $0x0;
	s28 =	simm.s32 $0x0  }
0x4: {  	s11 =	sand.u32 $0x1, s0;
	s18 =	sshll.u32 s25, $0x1;
	s13 =	smul.u32 $0x4E000, s25  }
0x5: {  	[smem:$0x7FF] =	sst s2;
	s12 =	sadd.s32 $0xEB2A00, s3;
	s14 =	smul.u32 $0x13800, s25  }
0x6: {  	s15 =	sadd.s32 $0xC800, s3;
	s23 =	sshll.u32 s25, $0x6;
	p0 =	sne.s32 s25, $0x0  }
0x7: {  	p1 =	sgt.u32 s25, $0x1;
	s8 =	sor.u32 s11, s18;
	_ =	strace $0x8000004A  }
0x8: {  	s7 =	ssub.s32 $0x2, s11;
	s18 =	sadd.s32 $0x138000, s1;
	s4 =	smul.u32 $0x500, s8  }
0x9: {  	s19 =	sshll.u32 s8, $0x4;
	s20 =	sshrl.u32 s7, $0x1;
	s21 =	sshrl.u32 s13, $0x2  }
0xa: {  	s22 =	sshrl.u32 s14, $0x3;
	s24 =	smul.u32 $0x27000, s8;
	s10 =	sshll.u32 s8, $0xB  }
0xb: {  	s9 =	sadd.s32 s19, s3;
	s16 =	ssub.s32 s7, s20;
	s19 =	smul.u32 $0x138800, s11  }
0xc: {  	s17 =	sadd.s32 s21, s1;
	s10 =	sadd.s32 s10, s12;
	s20 =	smul.u32 $0x27000, s11  }
0xd: {  	s21 =	simm.s32 $0x80;
	s6 =	sadd.s32 s4, s3;
	s3 =	sadd.s32 s5, s22  }
0xe: {  	s4 =	sor.u32 $0x1C05, s23;
	s5 =	sadd.s32 $0x27000, s5;
	s7 =	sadd.s32 s12, s24  }
0xf: {  	s9 =	sadd.s32 $0xC600, s9;
	s10 =	sadd.s32 $0x4E0000, s10;
	s12 =	sadd.s32 s13, s12  }
0x10: {  	s13 =	smax.u32 s16, $0x1;
	s16 =	simm.s32 $0x5;
	s22 =	simm.s32 $0x3  }
0x11: {  	s23 =	simm.s32 $0x2;
	s24 =	simm.s32 $0x4;
	s6 =	sadd.s32 $0x2600, s6  }
0x12: {  	s8 =	sadd.s32 $0x800, s7;
	s14 =	sadd.s32 s14, s19;
	s29 =	sshrl.u32 s19, $0x3  }
0x13: {  	s31 =	sadd.s32 s20, s12;
	s19 =	simm.s32 $0x6880;
	s20 =	simm.s32 $0x1  }
0x14: {  	s26 =	sshrl.u32 s14, $0x3;
	s30 =	sadd.s32 s15, s29;
	s14 =	sadd.s32 $0x1800, s31  }
0x15: {  	s11 =	sadd.s32 s15, s26;
	s12 =	sadd.s32 $0x27000, s30;
	s15 =	sshrl.u32 s17, $0x3  }
0x16: {  	s17 =	sshrl.u32 @!p0 s18, $0x3;
	s18 =	simm.s32 $0x2880;
	s26 =	simm.s32 $0x2680  }
.LBB2_1:
0x17: {  	[spmem:s15], [sflag:s4] =	dma.local [hbm:s3], $0x2700  }
0x18: {  	_ =	swait.ge [sflag:s16], $0x2700  }
0x19: {  	[sflag:s16] =	ssyncset.done $0x0  }
0x1a: {  	s29 =	simm.s32 @!p0 $0x5;
	[sflag:s16] =	ssyncadd.s32 $0xFFFFD900  }
0x1b: {  	[spmem:s17], [sflag:s4] =	dma.local @!p0 [hbm:s5], $0x100  }
0x1c: {  	_ =	swait.ge @!p0 [sflag:s29], $0x100  }
0x1d: {  	[sflag:s29] =	ssyncset.done @!p0 $0x0  }
0x1e: {  	[sflag:s29] =	ssyncadd.s32 @!p0 $0xFFFFFF00  }
0x1f: {  	[tilespmem:s2], [sflag:$0x5] =	stream.linear.gather [hbm4b:s6+s2], $0x2700, $0x38;
	[tilespmem:$0x1E100] =	vst v63  }
0x20: {  	_ =	swait.ge [sflag:s16], $0x2700  }
0x21: {  	[sflag:s16] =	ssyncset.done $0x0  }
0x22: {  	[sflag:s16] =	ssyncadd.s32 $0xFFFFD900  }
0x23: {  	[bflag:$0x0] =	sbarrier.arrive $0xFFFF  }
0x24: {  	[tilespmem:s18], [sflag:$0x1] =	stream.linear.gather [hbm4b:s7+s2], $0x4000, $0x38;
	[tilespmem:$0x1E100] =	vst v63  }
0x25: {  	_ = 	snop  }
0x26: {  	[tilespmem:s19], [sflag:$0x2] =	stream.linear.gather [hbm4b:s8+s2], $0x4000, $0x38;
	[tilespmem:$0x1E100] =	vst v63  }
0x27: {  	_ =	swait.ge [sflag:s20], $0x4000  }
0x28: {  	[sflag:s20] =	ssyncset.done $0x0  }
0x29: {  	s29 =	simm.s32 $0x0;
	[sflag:s20] =	ssyncadd.s32 $0xFFFFC000  }
0x2a: {  	[spmem:s1] =	stream.indirect.scatter.add.f32 [tilespmem:s18], [sflag:$0x3], $0x80, s29, s21, $0xb8;
	[tilespmem:$0x1E100] =	vst v63  }
0x2b: {  	_ =	swait.ge [sflag:s22], $0x4000  }
0x2c: {  	[sflag:s22] =	ssyncset.done $0x0  }
0x2d: {  	s29 =	sadd.s32 $0xFFFFF800, s14;
	[sflag:s22] =	ssyncadd.s32 $0xFFFFC000  }
0x2e: {  	[tilespmem:s18], [sflag:$0x1] =	stream.linear.gather [hbm4b:s29+s2], $0x4000, $0x38;
	[tilespmem:$0x1E100] =	vst v63  }
0x2f: {  	_ =	swait.ge [sflag:s23], $0x4000  }
0x30: {  	[sflag:s23] =	ssyncset.done $0x0  }
0x31: {  	s29 =	simm.s32 $0x80;
	[sflag:s23] =	ssyncadd.s32 $0xFFFFC000  }
0x32: {  	[spmem:s1] =	stream.indirect.scatter.add.f32 [tilespmem:s19], [sflag:$0x4], $0x80, s29, s21, $0xb8;
	[tilespmem:$0x1E100] =	vst v63  }
0x33: {  	_ =	swait.ge [sflag:s24], $0x4000  }
0x34: {  	s30 =	sadd.s32 $0x1000, s14;
	[sflag:s24] =	ssyncset.done $0x0  }
0x35: {  	s31 =	smov.u32 s14;
	s29 =	simm.s32 $0x400;
	[sflag:s24] =	ssyncadd.s32 $0xFFFFC000  }
.LBB2_2:
0x36: {  	[tilespmem:s19], [sflag:$0x2] =	stream.linear.gather [hbm4b:s31+s2], $0x4000, $0x38;
	[tilespmem:$0x1E100] =	vst v63  }
0x37: {  	s0 =	smov.u32 s29;
	s31 =	smov.u32 s30  }
0x38: {  	p2 =	sne.s32 s29, $0x9400;
	s29 =	sadd.s32 $0x400, s29;
	_ =	swait.ge [sflag:s20], $0x4000  }
0x39: {  	[sflag:s20] =	ssyncset.done $0x0  }
0x3a: {  	s0 =	sshra.s32 s0, $0x2;
	[sflag:s20] =	ssyncadd.s32 $0xFFFFC000  }
0x3b: {  	[spmem:s1] =	stream.indirect.scatter.add.f32 [tilespmem:s18], [sflag:$0x3], $0x80, s0, s21, $0xb8;
	[tilespmem:$0x1E100] =	vst v63  }
0x3c: {  	_ =	swait.ge [sflag:s22], $0x4000  }
0x3d: {  	[sflag:s22] =	ssyncset.done $0x0  }
0x3e: {  	s25 =	sadd.s32 $0xFFFFF800, s30;
	[sflag:s22] =	ssyncadd.s32 $0xFFFFC000  }
0x3f: {  	[tilespmem:s18], [sflag:$0x1] =	stream.linear.gather [hbm4b:s25+s2], $0x4000, $0x38;
	[tilespmem:$0x1E100] =	vst v63  }
0x40: {  	_ =	swait.ge [sflag:s23], $0x4000  }
0x41: {  	[sflag:s23] =	ssyncset.done $0x0  }
.Ltmp0:
0x42: {  	s0 =	sadd.s32 $0x80, s0;
	[sflag:s23] =	ssyncadd.s32 $0xFFFFC000;
	(pc) =	sbr.rel @p2 .LBB2_2-.Ltmp0, $4  }
0x43: {  	[spmem:s1] =	stream.indirect.scatter.add.f32 [tilespmem:s19], [sflag:$0x4], $0x80, s0, s21, $0xb8;
	[tilespmem:$0x1E100] =	vst v63  }
0x44: {  	_ =	swait.ge [sflag:s24], $0x4000  }
0x45: {  	[sflag:s24] =	ssyncset.done $0x0  }
0x46: {  	s30 =	sadd.s32 $0x1000, s30;
	[sflag:s24] =	ssyncadd.s32 $0xFFFFC000  }
0x47: {  	[tilespmem:s19], [sflag:$0x2] =	stream.linear.gather [hbm4b:s31+s2], $0x4000, $0x38;
	[tilespmem:$0x1E100] =	vst v63  }
0x48: {  	_ =	swait.ge [sflag:s20], $0x4000  }
0x49: {  	[sflag:s20] =	ssyncset.done $0x0  }
0x4a: {  	s0 =	simm.s32 $0x2600;
	[sflag:s20] =	ssyncadd.s32 $0xFFFFC000  }
0x4b: {  	[spmem:s1] =	stream.indirect.scatter.add.f32 [tilespmem:s18], [sflag:$0x5], $0x80, s0, s21, $0xb8;
	[tilespmem:$0x1E100] =	vst v63  }
0x4c: {  	_ =	swait.ge [sflag:s16], $0x4000  }
0x4d: {  	[sflag:s16] =	ssyncset.done $0x0  }
0x4e: {  	[sflag:s16] =	ssyncadd.s32 $0xFFFFC000  }
0x4f: {  	_ =	swait.ge [sflag:s23], $0x4000  }
0x50: {  	[sflag:s23] =	ssyncset.done $0x0  }
0x51: {  	[sflag:s23] =	ssyncadd.s32 $0xFFFFC000  }
0x52: {  	[spmem:s1] =	stream.indirect.scatter.add.f32 [tilespmem:s19], [sflag:$0x5], $0x80, s26, s21, $0xb8;
	[tilespmem:$0x1E100] =	vst v63  }
0x53: {  	_ =	swait.ge [sflag:s16], $0x4000  }
0x54: {  	s25 =	simm.s32 @!p1 $0x2800;
	[sflag:s16] =	ssyncset.done $0x0  }
0x55: {  	s29 =	simm.s32 @!p1 $0x5;
	s0 =	simm.s32 @!p1 $0x0;
	[sflag:s16] =	ssyncadd.s32 $0xFFFFC000  }
0x56: {  	[tilespmem:s25], [sflag:$0x5] =	stream.linear.gather @!p1 [hbm4b:s9+s0], $0x80, $0x38;
	[tilespmem:$0x1E100] =	vst v63  }
0x57: {  	_ =	swait.ge @!p1 [sflag:s29], $0x80  }
0x58: {  	[sflag:s29] =	ssyncset.done @!p1 $0x0  }
0x59: {  	s30 =	simm.s32 @!p1 $0x2880;
	[sflag:s29] =	ssyncadd.s32 @!p1 $0xFFFFFF80  }
0x5a: {  	[tilespmem:s30], [sflag:$0x5] =	stream.linear.gather @!p1 [hbm4b:s10+s0], $0x4000, $0x38;
	[tilespmem:$0x1E100] =	vst v63  }
0x5b: {  	_ =	swait.ge @!p1 [sflag:s29], $0x4000  }
0x5c: {  	[sflag:s29] =	ssyncset.done @!p1 $0x0  }
0x5d: {  	s0 =	simm.s32 @!p1 $0x80;
	[sflag:s29] =	ssyncadd.s32 @!p1 $0xFFFFC000  }
0x5e: {  	[spmem:s1] =	stream.indirect.scatter.add.f32 @!p1 [tilespmem:s30], [sflag:$0x5], $0x80, s25, s0, $0xb8;
	[tilespmem:$0x1E100] =	vst v63  }
0x5f: {  	_ =	swait.ge @!p1 [sflag:s29], $0x4000  }
0x60: {  	[sflag:s29] =	ssyncset.done @!p1 $0x0  }
0x61: {  	[sflag:s29] =	ssyncadd.s32 @!p1 $0xFFFFC000  }
0x62: {  	[bflag:$0x0] =	sbarrier.arrive $0xFFFF  }
0x63: {  	[hbm:s11], [sflag:s4] =	dma.local [spmem:s15], $0x2700  }
0x64: {  	s28 =	sadd.s32 $0x1, s28;
	_ =	swait.ge [sflag:s16], $0x2700  }
0x65: {  	p2 =	sne.s32 s28, s13;
	[sflag:s16] =	ssyncset.done $0x0  }
.Ltmp1:
0x66: {  	s0 =	simm.s32 @!p0 $0x5;
	[sflag:s16] =	ssyncadd.s32 $0xFFFFD900;
	(pc) =	sbr.rel @p2 .LBB2_1-.Ltmp1, $4  }
0x67: {  	[hbm:s12], [sflag:s4] =	dma.local @!p0 [spmem:s17], $0x100  }
0x68: {  	_ =	swait.ge @!p0 [sflag:s0], $0x100  }
0x69: {  	[sflag:s0] =	ssyncset.done @!p0 $0x0  }
0x6a: {  	[sflag:s0] =	ssyncadd.s32 @!p0 $0xFFFFFF00  }
0x6b: {  	_ =	sfence.sel $0x180000  }
0x6c: {  	[bflag:$0x0] =	sbarrier.arrive $0xFFFF  }
0x6d: {  	_ =	strace $0x9000004A  }
0x6e: {  	[bflag:$0x2] =	sbarrier.arrive $0xFFFF  }
0x6f: {  	s0 =	rddreg [dreg:$0x3]  }
0x70: {  	s0 =	sadd.s32 @!p0 $0x100000, s0  }
0x71: {  	[sflag:s0] =	ssyncadd.tile.s32 @!p0 $0x1;
	_ =	shalt  }
.Lfunc_end2:
_tile_overlayer_lowered:
.L_overlay_start_2:
0x72: {  	(tag) =	ssettag $0x2  }
0x73: {  	s0 =	rddreg [dreg:$0x0];
	s2 =	stileid.u32  }
0x74: {  	s1 =	rddreg [dreg:$0x1];
	p0 =	sne.s32 s2, $0x0  }
0x75: {  	s3 =	rddreg [dreg:$0x2];
	[bflag:$0x3] =	sbarrier.arrive $0xFFFF;
	s2 =	simm.s32 @!p0 $0x1C05  }
0x76: {  	[timem:s3], [sflag:s2] =	dma.local @!p0 [hbm:s0], s1  }
0x77: {  	s0 =	simm.s32 @!p0 $0x5  }
0x78: {  	_ =	swait.ge @!p0 [sflag:s0], s1  }
0x79: {  	s1 =	ssub.s32 @!p0 $0x0, s1;
	[sflag:s0] =	ssyncset.done @!p0 $0x0  }
0x7a: {  	[sflag:s0] =	ssyncadd.s32 @!p0 s1  }
0x7b: {  	[bflag:$0x3] =	sbarrier.arrive $0xFFFF  }
0x7c: {  	_ =	shalt  }

</sc_bundles>
